<compile_context>
chip_gen: v7x
topology: tpu7x:2x2x1
jax: 0.10.2.dev20260603
libtpu: 0.0.44.dev20260713+nightly
codegen_flags: <defaults>
</compile_context>

<pallas_src>
import jax
import jax.numpy as jnp
from jax import lax
from jax.experimental import pallas as pl
from jax.experimental.pallas import tpu as pltpu
from jax.experimental.pallas import tpu_sc as plsc

B = 4
S = 2048
N_BN = 32
D = 1024
SEQ_OUT = S + N_BN
NW = 32
IDX_PER_W = (B * S) // NW
CW = 32
NCHUNK = IDX_PER_W // CW
NB = 3
S_PER_W = S // (NW // B)


def kernel(lang_x, embedding_table, bn_embedding):
    mesh = plsc.VectorSubcoreMesh(core_axis_name="c", subcore_axis_name="s")

    @pl.kernel(
        out_type=jax.ShapeDtypeStruct((B * SEQ_OUT, D), embedding_table.dtype),
        mesh=mesh,
        scratch_types=[
            pltpu.VMEM((IDX_PER_W,), jnp.int32),
            pltpu.VMEM((CW, D), jnp.float32),
            pltpu.VMEM((CW, D), jnp.float32),
            pltpu.VMEM((CW, D), jnp.float32),
            pltpu.VMEM((8, D), jnp.float32),
            pltpu.SemaphoreType.DMA,
            pltpu.SemaphoreType.DMA,
            pltpu.SemaphoreType.DMA,
            pltpu.SemaphoreType.DMA,
            pltpu.SemaphoreType.DMA,
            pltpu.SemaphoreType.DMA,
            pltpu.SemaphoreType.DMA,
        ],
    )
    def emb_kernel(
        table_hbm, idx_hbm, bn_hbm, out_hbm,
        idx_v, rows_a, rows_b, rows_c, bn_v,
        sem_ga, sem_gb, sem_gc, sem_oa, sem_ob, sem_oc, sem_bn,
    ):
        wid = lax.axis_index("s") * 2 + lax.axis_index("c")
        batch = wid // (NW // B)
        quarter = wid % (NW // B)
        row0 = batch * SEQ_OUT + quarter * S_PER_W

        pltpu.sync_copy(
            idx_hbm.at[batch, pl.ds(quarter * IDX_PER_W, IDX_PER_W)], idx_v
        )

        bufs = (rows_a, rows_b, rows_c)
        gsems = (sem_ga, sem_gb, sem_gc)
        osems = (sem_oa, sem_ob, sem_oc)

        def gath(c):
            return pltpu.async_copy(
                table_hbm.at[idx_v.at[pl.ds(c * CW, CW)]],
                bufs[c % NB],
                gsems[c % NB],
            )

        gathers = [None] * NCHUNK
        outs = [None] * NCHUNK
        gathers[0] = gath(0)
        gathers[1] = gath(1)

        @pl.when(wid < 16)
        def _():
            b = wid // 4
            j = wid % 4
            pltpu.async_copy(bn_hbm.at[pl.ds(j * 8, 8)], bn_v, sem_bn).wait()
            pltpu.async_copy(
                bn_v, out_hbm.at[pl.ds(b * SEQ_OUT + S + j * 8, 8)], sem_bn
            ).wait()

        for c in range(NCHUNK):
            if c + 2 < NCHUNK:
                if c >= 1:
                    outs[c - 1].wait()
                gathers[c + 2] = gath(c + 2)
            gathers[c].wait()
            outs[c] = pltpu.async_copy(
                bufs[c % NB], out_hbm.at[pl.ds(row0 + c * CW, CW)], osems[c % NB]
            )
        outs[NCHUNK - 3].wait()
        outs[NCHUNK - 2].wait()
        outs[NCHUNK - 1].wait()

    out = emb_kernel(embedding_table, lang_x, bn_embedding)
    return out.reshape(B, SEQ_OUT, D)

# --- scband reference (transcript-rebuilt; emitter-appended) ---
"""Pipeline reference for scband-msa-lmembedding-20298015441142 (READ-ONLY COPY).

The authoritative reference and input builder live on the scoring server;
editing this copy changes nothing except your own understanding.
"""

import jax, jax.numpy as jnp
import numpy as np

VOCAB = 100000
D_EMBD = 1024
BATCH = 4
SEQ = 2048
N_BN = 32


def setup_inputs(seed: int = 0) -> dict:
    key = jax.random.key(seed)
    k1, k2, k3 = jax.random.split(key, 3)
    lang_x = jax.random.randint(k1, (BATCH, SEQ), 0, VOCAB, dtype=jnp.int32)
    embedding_table = jax.random.normal(k2, (VOCAB, D_EMBD), dtype=jnp.float32) * 0.02
    bn_embedding = jax.random.normal(k3, (N_BN, D_EMBD), dtype=jnp.float32) * 0.02
    return {"lang_x": lang_x, "embedding_table": embedding_table, "bn_embedding": bn_embedding}


def reference(lang_x, embedding_table, bn_embedding):
    # self.embedding(lang_x): standard embedding lookup (gather rows)
    emb = jnp.take(embedding_table, lang_x, axis=0)  # [B, S, D]
    # BNEmbedding: broadcast bottleneck tokens over batch and concat along seq dim
    bn_x = jnp.broadcast_to(bn_embedding[None, :, :], (emb.shape[0], bn_embedding.shape[0], bn_embedding.shape[1]))
    out = jnp.concatenate((emb, bn_x), axis=1)  # [B, S + n_bn, D]
    return out

if __name__ == "__main__":
    import jax
    _d = setup_inputs()
    print(jax.jit(kernel)(*tuple(_d.values())))

</pallas_src>

<mosaic_0001>
#map = affine_map<(d0, d1) -> (0, 0)>
module attributes {stable_mosaic.version = 14 : i64} {
  func.func @emb_kernel(%arg0: i32, %arg1: i32, %arg2: memref<100000x1024xf32, #tpu.memory_space<hbm>>, %arg3: memref<4x2048xi32, #tpu.memory_space<hbm>>, %arg4: memref<32x1024xf32, #tpu.memory_space<hbm>>, %arg5: memref<8320x1024xf32, #tpu.memory_space<hbm>>, %arg6: memref<256xi32, #tpu.memory_space<vmem>>, %arg7: memref<32x1024xf32, #tpu.memory_space<vmem>>, %arg8: memref<32x1024xf32, #tpu.memory_space<vmem>>, %arg9: memref<32x1024xf32, #tpu.memory_space<vmem>>, %arg10: memref<8x1024xf32, #tpu.memory_space<vmem>>, %arg11: memref<!tpu.dma_semaphore, #tpu.memory_space<semaphore_mem>>, %arg12: memref<!tpu.dma_semaphore, #tpu.memory_space<semaphore_mem>>, %arg13: memref<!tpu.dma_semaphore, #tpu.memory_space<semaphore_mem>>, %arg14: memref<!tpu.dma_semaphore, #tpu.memory_space<semaphore_mem>>, %arg15: memref<!tpu.dma_semaphore, #tpu.memory_space<semaphore_mem>>, %arg16: memref<!tpu.dma_semaphore, #tpu.memory_space<semaphore_mem>>, %arg17: memref<!tpu.dma_semaphore, #tpu.memory_space<semaphore_mem>>) attributes {dimension_semantics = [#tpu.dimension_semantics<core_parallel>, #tpu.dimension_semantics<subcore_parallel>], iteration_bounds = array<i64: 2, 16>, scalar_prefetch = 0 : i64, scratch_operands = 12 : i64, tpu.core_type = #tpu.core_type<sc_vector_subcore>, window_params = [{transform_indices = #map}, {transform_indices = #map}, {transform_indices = #map}, {transform_indices = #map}]} {
    %mul3A = arith.constant 2 : i32
    %mul3A_0 = arith.muli %arg1, %mul3A : i32
    %add3A = arith.addi %mul3A_0, %arg0 : i32
    %jit3A = arith.constant 8 : i32
    %div3A = arith.divsi %add3A, %jit3A : i32
    %sign3A = arith.constant 0 : i32
    %sign3A_1 = arith.cmpi sgt, %add3A, %sign3A : i32
    %sign3A_2 = arith.extui %sign3A_1 : i1 to i32
    %sign3A_3 = arith.constant 0 : i32
    %sign3A_4 = arith.cmpi slt, %add3A, %sign3A_3 : i32
    %sign3A_5 = arith.extui %sign3A_4 : i1 to i32
    %sign3A_6 = arith.subi %sign3A_2, %sign3A_5 : i32
    %sign3A_7 = arith.constant 0 : i32
    %sign3A_8 = arith.cmpi sgt, %jit3A, %sign3A_7 : i32
    %sign3A_9 = arith.extui %sign3A_8 : i1 to i32
    %sign3A_10 = arith.constant 0 : i32
    %sign3A_11 = arith.cmpi slt, %jit3A, %sign3A_10 : i32
    %sign3A_12 = arith.extui %sign3A_11 : i1 to i32
    %sign3A_13 = arith.subi %sign3A_9, %sign3A_12 : i32
    %ne3A = arith.cmpi ne, %sign3A_6, %sign3A_13 : i32
    %rem3A = arith.remsi %add3A, %jit3A : i32
    %ne3A_14 = arith.constant 0 : i32
    %ne3A_15 = arith.cmpi ne, %rem3A, %ne3A_14 : i32
    %and3A = arith.andi %ne3A, %ne3A_15 : i1
    %sub3A = arith.constant 1 : i32
    %sub3A_16 = arith.subi %div3A, %sub3A : i32
    %select_n3A = arith.select %and3A, %sub3A_16, %div3A : i32
    %jit3A_17 = arith.constant 8 : i32
    %eq3A = arith.constant 0 : i32
    %eq3A_18 = arith.cmpi eq, %jit3A_17, %eq3A : i32
    %jit3A_19 = arith.constant 1 : i32
    %select_n3A_20 = arith.select %eq3A_18, %jit3A_19, %jit3A_17 : i32
    %rem3A_21 = arith.remsi %add3A, %select_n3A_20 : i32
    %ne3A_22 = arith.constant 0 : i32
    %ne3A_23 = arith.cmpi ne, %rem3A_21, %ne3A_22 : i32
    %lt3A = arith.constant 0 : i32
    %lt3A_24 = arith.cmpi slt, %rem3A_21, %lt3A : i32
    %lt3A_25 = arith.constant 0 : i32
    %lt3A_26 = arith.cmpi slt, %select_n3A_20, %lt3A_25 : i32
    %ne3A_27 = arith.xori %lt3A_24, %lt3A_26 : i1
    %and3A_28 = arith.andi %ne3A_27, %ne3A_23 : i1
    %add3A_29 = arith.addi %rem3A_21, %select_n3A_20 : i32
    %select_n3A_30 = arith.select %and3A_28, %add3A_29, %rem3A_21 : i32
    %mul3A_31 = arith.constant 2080 : i32
    %mul3A_32 = arith.muli %select_n3A, %mul3A_31 : i32
    %mul3A_33 = arith.constant 256 : i32
    %mul3A_34 = arith.muli %select_n3A_30, %mul3A_33 : i32
    %add3A_35 = arith.addi %mul3A_32, %mul3A_34 : i32
    %mul3A_36 = arith.constant 256 : i32
    %mul3A_37 = arith.muli %select_n3A_30, %mul3A_36 : i32
    "tpu.region"() ({
      %run_scoped3A = tpu.sem_alloc : memref<!tpu.dma_semaphore, #tpu.memory_space<semaphore_mem>>
      %dma_start3A_199 = tpu.memref_slice %arg3[%select_n3A, %mul3A_37] : memref<4x2048xi32, #tpu.memory_space<hbm>> -> memref<1x256xi32, #tpu.memory_space<hbm>>
      %dma_start3A_200 = tpu.memref_squeeze %dma_start3A_199 : memref<1x256xi32, #tpu.memory_space<hbm>> -> memref<256xi32, #tpu.memory_space<hbm>>
      %dma_start3A_201 = tpu.memref_slice %arg3[%select_n3A, %mul3A_37] : memref<4x2048xi32, #tpu.memory_space<hbm>> -> memref<1x256xi32, #tpu.memory_space<hbm>>
      %dma_start3A_202 = tpu.memref_squeeze %dma_start3A_201 : memref<1x256xi32, #tpu.memory_space<hbm>> -> memref<256xi32, #tpu.memory_space<hbm>>
      tpu.enqueue_dma source(%dma_start3A_202 : memref<256xi32, #tpu.memory_space<hbm>>) target(%arg6 : memref<256xi32, #tpu.memory_space<vmem>>) target_semaphore(%run_scoped3A : memref<!tpu.dma_semaphore, #tpu.memory_space<semaphore_mem>>)
      %dma_wait3A_203 = tpu.memref_slice %arg3[%select_n3A, %mul3A_37] : memref<4x2048xi32, #tpu.memory_space<hbm>> -> memref<1x256xi32, #tpu.memory_space<hbm>>
      %dma_wait3A_204 = tpu.memref_squeeze %dma_wait3A_203 : memref<1x256xi32, #tpu.memory_space<hbm>> -> memref<256xi32, #tpu.memory_space<hbm>>
      %dma_wait3A_205 = tpu.memref_slice %arg3[%select_n3A, %mul3A_37] : memref<4x2048xi32, #tpu.memory_space<hbm>> -> memref<1x256xi32, #tpu.memory_space<hbm>>
      %dma_wait3A_206 = tpu.memref_squeeze %dma_wait3A_205 : memref<1x256xi32, #tpu.memory_space<hbm>> -> memref<256xi32, #tpu.memory_space<hbm>>
      tpu.wait_dma2 semaphore(%run_scoped3A : memref<!tpu.dma_semaphore, #tpu.memory_space<semaphore_mem>>) src(%dma_wait3A_206 : memref<256xi32, #tpu.memory_space<hbm>>) dst(%arg6 : memref<256xi32, #tpu.memory_space<vmem>>)
      tpu.yield
    }) : () -> ()
    %dma_start3A = arith.constant 0 : i32
    %dma_start3A_38 = tpu.memref_slice %arg6[%dma_start3A] : memref<256xi32, #tpu.memory_space<vmem>> -> memref<32xi32, #tpu.memory_space<vmem>>
    %dma_start3A_39 = arith.constant 0 : i32
    %dma_start3A_40 = arith.constant 0 : i32
    %dma_start3A_41 = tpu.memref_slice %arg2[%dma_start3A_39, %dma_start3A_40] : memref<100000x1024xf32, #tpu.memory_space<hbm>> -> memref<100000x1024xf32, #tpu.memory_space<hbm>>
    tpu.enqueue_indirect_dma source(%dma_start3A_41 : memref<100000x1024xf32, #tpu.memory_space<hbm>>) target(%arg7 : memref<32x1024xf32, #tpu.memory_space<vmem>>) offsets(%dma_start3A_38 : memref<32xi32, #tpu.memory_space<vmem>>) semaphore(%arg11 : memref<!tpu.dma_semaphore, #tpu.memory_space<semaphore_mem>>)
    %dma_start3A_42 = arith.constant 32 : i32
    %dma_start3A_43 = tpu.memref_slice %arg6[%dma_start3A_42] : memref<256xi32, #tpu.memory_space<vmem>> -> memref<32xi32, #tpu.memory_space<vmem>>
    %dma_start3A_44 = arith.constant 0 : i32
    %dma_start3A_45 = arith.constant 0 : i32
    %dma_start3A_46 = tpu.memref_slice %arg2[%dma_start3A_44, %dma_start3A_45] : memref<100000x1024xf32, #tpu.memory_space<hbm>> -> memref<100000x1024xf32, #tpu.memory_space<hbm>>
    tpu.enqueue_indirect_dma source(%dma_start3A_46 : memref<100000x1024xf32, #tpu.memory_space<hbm>>) target(%arg8 : memref<32x1024xf32, #tpu.memory_space<vmem>>) offsets(%dma_start3A_43 : memref<32xi32, #tpu.memory_space<vmem>>) semaphore(%arg12 : memref<!tpu.dma_semaphore, #tpu.memory_space<semaphore_mem>>)
    %lt3A_47 = arith.constant 16 : i32
    %lt3A_48 = arith.cmpi slt, %add3A, %lt3A_47 : i32
    %convert_element_type3A = arith.extui %lt3A_48 : i1 to i32
    %cond3A = arith.constant 0 : i32
    %cond3A_49 = arith.cmpi ne, %convert_element_type3A, %cond3A : i32
    scf.if %cond3A_49 {
      %jit3A_199 = arith.constant 4 : i32
      %div3A_200 = arith.divsi %add3A, %jit3A_199 : i32
      %sign3A_201 = arith.constant 0 : i32
      %sign3A_202 = arith.cmpi sgt, %add3A, %sign3A_201 : i32
      %sign3A_203 = arith.extui %sign3A_202 : i1 to i32
      %sign3A_204 = arith.constant 0 : i32
      %sign3A_205 = arith.cmpi slt, %add3A, %sign3A_204 : i32
      %sign3A_206 = arith.extui %sign3A_205 : i1 to i32
      %sign3A_207 = arith.subi %sign3A_203, %sign3A_206 : i32
      %sign3A_208 = arith.constant 0 : i32
      %sign3A_209 = arith.cmpi sgt, %jit3A_199, %sign3A_208 : i32
      %sign3A_210 = arith.extui %sign3A_209 : i1 to i32
      %sign3A_211 = arith.constant 0 : i32
      %sign3A_212 = arith.cmpi slt, %jit3A_199, %sign3A_211 : i32
      %sign3A_213 = arith.extui %sign3A_212 : i1 to i32
      %sign3A_214 = arith.subi %sign3A_210, %sign3A_213 : i32
      %ne3A_215 = arith.cmpi ne, %sign3A_207, %sign3A_214 : i32
      %rem3A_216 = arith.remsi %add3A, %jit3A_199 : i32
      %ne3A_217 = arith.constant 0 : i32
      %ne3A_218 = arith.cmpi ne, %rem3A_216, %ne3A_217 : i32
      %and3A_219 = arith.andi %ne3A_215, %ne3A_218 : i1
      %sub3A_220 = arith.constant 1 : i32
      %sub3A_221 = arith.subi %div3A_200, %sub3A_220 : i32
      %select_n3A_222 = arith.select %and3A_219, %sub3A_221, %div3A_200 : i32
      %jit3A_223 = arith.constant 4 : i32
      %eq3A_224 = arith.constant 0 : i32
      %eq3A_225 = arith.cmpi eq, %jit3A_223, %eq3A_224 : i32
      %jit3A_226 = arith.constant 1 : i32
      %select_n3A_227 = arith.select %eq3A_225, %jit3A_226, %jit3A_223 : i32
      %rem3A_228 = arith.remsi %add3A, %select_n3A_227 : i32
      %ne3A_229 = arith.constant 0 : i32
      %ne3A_230 = arith.cmpi ne, %rem3A_228, %ne3A_229 : i32
      %lt3A_231 = arith.constant 0 : i32
      %lt3A_232 = arith.cmpi slt, %rem3A_228, %lt3A_231 : i32
      %lt3A_233 = arith.constant 0 : i32
      %lt3A_234 = arith.cmpi slt, %select_n3A_227, %lt3A_233 : i32
      %ne3A_235 = arith.xori %lt3A_232, %lt3A_234 : i1
      %and3A_236 = arith.andi %ne3A_235, %ne3A_230 : i1
      %add3A_237 = arith.addi %rem3A_228, %select_n3A_227 : i32
      %select_n3A_238 = arith.select %and3A_236, %add3A_237, %rem3A_228 : i32
      %mul3A_239 = arith.constant 8 : i32
      %mul3A_240 = arith.muli %select_n3A_238, %mul3A_239 : i32
      %dma_start3A_241 = arith.constant 0 : i32
      %dma_start3A_242 = tpu.memref_slice %arg4[%mul3A_240, %dma_start3A_241] : memref<32x1024xf32, #tpu.memory_space<hbm>> -> memref<8x1024xf32, #tpu.memory_space<hbm>>
      %dma_start3A_243 = arith.constant 0 : i32
      %dma_start3A_244 = tpu.memref_slice %arg4[%mul3A_240, %dma_start3A_243] : memref<32x1024xf32, #tpu.memory_space<hbm>> -> memref<8x1024xf32, #tpu.memory_space<hbm>>
      tpu.enqueue_dma source(%dma_start3A_244 : memref<8x1024xf32, #tpu.memory_space<hbm>>) target(%arg10 : memref<8x1024xf32, #tpu.memory_space<vmem>>) target_semaphore(%arg17 : memref<!tpu.dma_semaphore, #tpu.memory_space<semaphore_mem>>)
      %dma_wait3A_245 = arith.constant 0 : i32
      %dma_wait3A_246 = tpu.memref_slice %arg4[%mul3A_240, %dma_wait3A_245] : memref<32x1024xf32, #tpu.memory_space<hbm>> -> memref<8x1024xf32, #tpu.memory_space<hbm>>
      %dma_wait3A_247 = arith.constant 0 : i32
      %dma_wait3A_248 = tpu.memref_slice %arg4[%mul3A_240, %dma_wait3A_247] : memref<32x1024xf32, #tpu.memory_space<hbm>> -> memref<8x1024xf32, #tpu.memory_space<hbm>>
      tpu.wait_dma2 semaphore(%arg17 : memref<!tpu.dma_semaphore, #tpu.memory_space<semaphore_mem>>) src(%dma_wait3A_248 : memref<8x1024xf32, #tpu.memory_space<hbm>>) dst(%arg10 : memref<8x1024xf32, #tpu.memory_space<vmem>>)
      %mul3A_249 = arith.constant 2080 : i32
      %mul3A_250 = arith.muli %select_n3A_222, %mul3A_249 : i32
      %add3A_251 = arith.constant 2048 : i32
      %add3A_252 = arith.addi %mul3A_250, %add3A_251 : i32
      %mul3A_253 = arith.constant 8 : i32
      %mul3A_254 = arith.muli %select_n3A_238, %mul3A_253 : i32
      %add3A_255 = arith.addi %add3A_252, %mul3A_254 : i32
      %dma_start3A_256 = arith.constant 0 : i32
      %dma_start3A_257 = tpu.memref_slice %arg5[%add3A_255, %dma_start3A_256] : memref<8320x1024xf32, #tpu.memory_space<hbm>> -> memref<8x1024xf32, #tpu.memory_space<hbm>>
      %dma_start3A_258 = arith.constant 0 : i32
      %dma_start3A_259 = tpu.memref_slice %arg5[%add3A_255, %dma_start3A_258] : memref<8320x1024xf32, #tpu.memory_space<hbm>> -> memref<8x1024xf32, #tpu.memory_space<hbm>>
      tpu.enqueue_dma source(%arg10 : memref<8x1024xf32, #tpu.memory_space<vmem>>) target(%dma_start3A_259 : memref<8x1024xf32, #tpu.memory_space<hbm>>) target_semaphore(%arg17 : memref<!tpu.dma_semaphore, #tpu.memory_space<semaphore_mem>>)
      %dma_wait3A_260 = arith.constant 0 : i32
      %dma_wait3A_261 = tpu.memref_slice %arg5[%add3A_255, %dma_wait3A_260] : memref<8320x1024xf32, #tpu.memory_space<hbm>> -> memref<8x1024xf32, #tpu.memory_space<hbm>>
      %dma_wait3A_262 = arith.constant 0 : i32
      %dma_wait3A_263 = tpu.memref_slice %arg5[%add3A_255, %dma_wait3A_262] : memref<8320x1024xf32, #tpu.memory_space<hbm>> -> memref<8x1024xf32, #tpu.memory_space<hbm>>
      tpu.wait_dma2 semaphore(%arg17 : memref<!tpu.dma_semaphore, #tpu.memory_space<semaphore_mem>>) src(%arg10 : memref<8x1024xf32, #tpu.memory_space<vmem>>) dst(%dma_wait3A_263 : memref<8x1024xf32, #tpu.memory_space<hbm>>)
    } else {
    }
    %dma_start3A_50 = arith.constant 64 : i32
    %dma_start3A_51 = tpu.memref_slice %arg6[%dma_start3A_50] : memref<256xi32, #tpu.memory_space<vmem>> -> memref<32xi32, #tpu.memory_space<vmem>>
    %dma_start3A_52 = arith.constant 0 : i32
    %dma_start3A_53 = arith.constant 0 : i32
    %dma_start3A_54 = tpu.memref_slice %arg2[%dma_start3A_52, %dma_start3A_53] : memref<100000x1024xf32, #tpu.memory_space<hbm>> -> memref<100000x1024xf32, #tpu.memory_space<hbm>>
    tpu.enqueue_indirect_dma source(%dma_start3A_54 : memref<100000x1024xf32, #tpu.memory_space<hbm>>) target(%arg9 : memref<32x1024xf32, #tpu.memory_space<vmem>>) offsets(%dma_start3A_51 : memref<32xi32, #tpu.memory_space<vmem>>) semaphore(%arg13 : memref<!tpu.dma_semaphore, #tpu.memory_space<semaphore_mem>>)
    %dma_wait3A = arith.constant 0 : i32
    %dma_wait3A_55 = tpu.memref_slice %arg6[%dma_wait3A] : memref<256xi32, #tpu.memory_space<vmem>> -> memref<32xi32, #tpu.memory_space<vmem>>
    %dma_wait3A_56 = arith.constant 0 : i32
    %dma_wait3A_57 = arith.constant 0 : i32
    %dma_wait3A_58 = tpu.memref_slice %arg2[%dma_wait3A_56, %dma_wait3A_57] : memref<100000x1024xf32, #tpu.memory_space<hbm>> -> memref<100000x1024xf32, #tpu.memory_space<hbm>>
    tpu.wait_indirect_dma semaphore(%arg11 : memref<!tpu.dma_semaphore, #tpu.memory_space<semaphore_mem>>) src(%dma_wait3A_58 : memref<100000x1024xf32, #tpu.memory_space<hbm>>) dst(%arg7 : memref<32x1024xf32, #tpu.memory_space<vmem>>)
    %add3A_59 = arith.constant 0 : i32
    %add3A_60 = arith.addi %add3A_35, %add3A_59 : i32
    %dma_start3A_61 = arith.constant 0 : i32
    %dma_start3A_62 = tpu.memref_slice %arg5[%add3A_60, %dma_start3A_61] : memref<8320x1024xf32, #tpu.memory_space<hbm>> -> memref<32x1024xf32, #tpu.memory_space<hbm>>
    %dma_start3A_63 = arith.constant 0 : i32
    %dma_start3A_64 = tpu.memref_slice %arg5[%add3A_60, %dma_start3A_63] : memref<8320x1024xf32, #tpu.memory_space<hbm>> -> memref<32x1024xf32, #tpu.memory_space<hbm>>
    tpu.enqueue_dma source(%arg7 : memref<32x1024xf32, #tpu.memory_space<vmem>>) target(%dma_start3A_64 : memref<32x1024xf32, #tpu.memory_space<hbm>>) target_semaphore(%arg14 : memref<!tpu.dma_semaphore, #tpu.memory_space<semaphore_mem>>)
    %dma_wait3A_65 = arith.constant 0 : i32
    %dma_wait3A_66 = tpu.memref_slice %arg5[%add3A_60, %dma_wait3A_65] : memref<8320x1024xf32, #tpu.memory_space<hbm>> -> memref<32x1024xf32, #tpu.memory_space<hbm>>
    %dma_wait3A_67 = arith.constant 0 : i32
    %dma_wait3A_68 = tpu.memref_slice %arg5[%add3A_60, %dma_wait3A_67] : memref<8320x1024xf32, #tpu.memory_space<hbm>> -> memref<32x1024xf32, #tpu.memory_space<hbm>>
    tpu.wait_dma2 semaphore(%arg14 : memref<!tpu.dma_semaphore, #tpu.memory_space<semaphore_mem>>) src(%arg7 : memref<32x1024xf32, #tpu.memory_space<vmem>>) dst(%dma_wait3A_68 : memref<32x1024xf32, #tpu.memory_space<hbm>>)
    %dma_start3A_69 = arith.constant 96 : i32
    %dma_start3A_70 = tpu.memref_slice %arg6[%dma_start3A_69] : memref<256xi32, #tpu.memory_space<vmem>> -> memref<32xi32, #tpu.memory_space<vmem>>
    %dma_start3A_71 = arith.constant 0 : i32
    %dma_start3A_72 = arith.constant 0 : i32
    %dma_start3A_73 = tpu.memref_slice %arg2[%dma_start3A_71, %dma_start3A_72] : memref<100000x1024xf32, #tpu.memory_space<hbm>> -> memref<100000x1024xf32, #tpu.memory_space<hbm>>
    tpu.enqueue_indirect_dma source(%dma_start3A_73 : memref<100000x1024xf32, #tpu.memory_space<hbm>>) target(%arg7 : memref<32x1024xf32, #tpu.memory_space<vmem>>) offsets(%dma_start3A_70 : memref<32xi32, #tpu.memory_space<vmem>>) semaphore(%arg11 : memref<!tpu.dma_semaphore, #tpu.memory_space<semaphore_mem>>)
    %dma_wait3A_74 = arith.constant 32 : i32
    %dma_wait3A_75 = tpu.memref_slice %arg6[%dma_wait3A_74] : memref<256xi32, #tpu.memory_space<vmem>> -> memref<32xi32, #tpu.memory_space<vmem>>
    %dma_wait3A_76 = arith.constant 0 : i32
    %dma_wait3A_77 = arith.constant 0 : i32
    %dma_wait3A_78 = tpu.memref_slice %arg2[%dma_wait3A_76, %dma_wait3A_77] : memref<100000x1024xf32, #tpu.memory_space<hbm>> -> memref<100000x1024xf32, #tpu.memory_space<hbm>>
    tpu.wait_indirect_dma semaphore(%arg12 : memref<!tpu.dma_semaphore, #tpu.memory_space<semaphore_mem>>) src(%dma_wait3A_78 : memref<100000x1024xf32, #tpu.memory_space<hbm>>) dst(%arg8 : memref<32x1024xf32, #tpu.memory_space<vmem>>)
    %add3A_79 = arith.constant 32 : i32
    %add3A_80 = arith.addi %add3A_35, %add3A_79 : i32
    %dma_start3A_81 = arith.constant 0 : i32
    %dma_start3A_82 = tpu.memref_slice %arg5[%add3A_80, %dma_start3A_81] : memref<8320x1024xf32, #tpu.memory_space<hbm>> -> memref<32x1024xf32, #tpu.memory_space<hbm>>
    %dma_start3A_83 = arith.constant 0 : i32
    %dma_start3A_84 = tpu.memref_slice %arg5[%add3A_80, %dma_start3A_83] : memref<8320x1024xf32, #tpu.memory_space<hbm>> -> memref<32x1024xf32, #tpu.memory_space<hbm>>
    tpu.enqueue_dma source(%arg8 : memref<32x1024xf32, #tpu.memory_space<vmem>>) target(%dma_start3A_84 : memref<32x1024xf32, #tpu.memory_space<hbm>>) target_semaphore(%arg15 : memref<!tpu.dma_semaphore, #tpu.memory_space<semaphore_mem>>)
    %dma_wait3A_85 = arith.constant 0 : i32
    %dma_wait3A_86 = tpu.memref_slice %arg5[%add3A_80, %dma_wait3A_85] : memref<8320x1024xf32, #tpu.memory_space<hbm>> -> memref<32x1024xf32, #tpu.memory_space<hbm>>
    %dma_wait3A_87 = arith.constant 0 : i32
    %dma_wait3A_88 = tpu.memref_slice %arg5[%add3A_80, %dma_wait3A_87] : memref<8320x1024xf32, #tpu.memory_space<hbm>> -> memref<32x1024xf32, #tpu.memory_space<hbm>>
    tpu.wait_dma2 semaphore(%arg15 : memref<!tpu.dma_semaphore, #tpu.memory_space<semaphore_mem>>) src(%arg8 : memref<32x1024xf32, #tpu.memory_space<vmem>>) dst(%dma_wait3A_88 : memref<32x1024xf32, #tpu.memory_space<hbm>>)
    %dma_start3A_89 = arith.constant 128 : i32
    %dma_start3A_90 = tpu.memref_slice %arg6[%dma_start3A_89] : memref<256xi32, #tpu.memory_space<vmem>> -> memref<32xi32, #tpu.memory_space<vmem>>
    %dma_start3A_91 = arith.constant 0 : i32
    %dma_start3A_92 = arith.constant 0 : i32
    %dma_start3A_93 = tpu.memref_slice %arg2[%dma_start3A_91, %dma_start3A_92] : memref<100000x1024xf32, #tpu.memory_space<hbm>> -> memref<100000x1024xf32, #tpu.memory_space<hbm>>
    tpu.enqueue_indirect_dma source(%dma_start3A_93 : memref<100000x1024xf32, #tpu.memory_space<hbm>>) target(%arg8 : memref<32x1024xf32, #tpu.memory_space<vmem>>) offsets(%dma_start3A_90 : memref<32xi32, #tpu.memory_space<vmem>>) semaphore(%arg12 : memref<!tpu.dma_semaphore, #tpu.memory_space<semaphore_mem>>)
    %dma_wait3A_94 = arith.constant 64 : i32
    %dma_wait3A_95 = tpu.memref_slice %arg6[%dma_wait3A_94] : memref<256xi32, #tpu.memory_space<vmem>> -> memref<32xi32, #tpu.memory_space<vmem>>
    %dma_wait3A_96 = arith.constant 0 : i32
    %dma_wait3A_97 = arith.constant 0 : i32
    %dma_wait3A_98 = tpu.memref_slice %arg2[%dma_wait3A_96, %dma_wait3A_97] : memref<100000x1024xf32, #tpu.memory_space<hbm>> -> memref<100000x1024xf32, #tpu.memory_space<hbm>>
    tpu.wait_indirect_dma semaphore(%arg13 : memref<!tpu.dma_semaphore, #tpu.memory_space<semaphore_mem>>) src(%dma_wait3A_98 : memref<100000x1024xf32, #tpu.memory_space<hbm>>) dst(%arg9 : memref<32x1024xf32, #tpu.memory_space<vmem>>)
    %add3A_99 = arith.constant 64 : i32
    %add3A_100 = arith.addi %add3A_35, %add3A_99 : i32
    %dma_start3A_101 = arith.constant 0 : i32
    %dma_start3A_102 = tpu.memref_slice %arg5[%add3A_100, %dma_start3A_101] : memref<8320x1024xf32, #tpu.memory_space<hbm>> -> memref<32x1024xf32, #tpu.memory_space<hbm>>
    %dma_start3A_103 = arith.constant 0 : i32
    %dma_start3A_104 = tpu.memref_slice %arg5[%add3A_100, %dma_start3A_103] : memref<8320x1024xf32, #tpu.memory_space<hbm>> -> memref<32x1024xf32, #tpu.memory_space<hbm>>
    tpu.enqueue_dma source(%arg9 : memref<32x1024xf32, #tpu.memory_space<vmem>>) target(%dma_start3A_104 : memref<32x1024xf32, #tpu.memory_space<hbm>>) target_semaphore(%arg16 : memref<!tpu.dma_semaphore, #tpu.memory_space<semaphore_mem>>)
    %dma_wait3A_105 = arith.constant 0 : i32
    %dma_wait3A_106 = tpu.memref_slice %arg5[%add3A_100, %dma_wait3A_105] : memref<8320x1024xf32, #tpu.memory_space<hbm>> -> memref<32x1024xf32, #tpu.memory_space<hbm>>
    %dma_wait3A_107 = arith.constant 0 : i32
    %dma_wait3A_108 = tpu.memref_slice %arg5[%add3A_100, %dma_wait3A_107] : memref<8320x1024xf32, #tpu.memory_space<hbm>> -> memref<32x1024xf32, #tpu.memory_space<hbm>>
    tpu.wait_dma2 semaphore(%arg16 : memref<!tpu.dma_semaphore, #tpu.memory_space<semaphore_mem>>) src(%arg9 : memref<32x1024xf32, #tpu.memory_space<vmem>>) dst(%dma_wait3A_108 : memref<32x1024xf32, #tpu.memory_space<hbm>>)
    %dma_start3A_109 = arith.constant 160 : i32
    %dma_start3A_110 = tpu.memref_slice %arg6[%dma_start3A_109] : memref<256xi32, #tpu.memory_space<vmem>> -> memref<32xi32, #tpu.memory_space<vmem>>
    %dma_start3A_111 = arith.constant 0 : i32
    %dma_start3A_112 = arith.constant 0 : i32
    %dma_start3A_113 = tpu.memref_slice %arg2[%dma_start3A_111, %dma_start3A_112] : memref<100000x1024xf32, #tpu.memory_space<hbm>> -> memref<100000x1024xf32, #tpu.memory_space<hbm>>
    tpu.enqueue_indirect_dma source(%dma_start3A_113 : memref<100000x1024xf32, #tpu.memory_space<hbm>>) target(%arg9 : memref<32x1024xf32, #tpu.memory_space<vmem>>) offsets(%dma_start3A_110 : memref<32xi32, #tpu.memory_space<vmem>>) semaphore(%arg13 : memref<!tpu.dma_semaphore, #tpu.memory_space<semaphore_mem>>)
    %dma_wait3A_114 = arith.constant 96 : i32
    %dma_wait3A_115 = tpu.memref_slice %arg6[%dma_wait3A_114] : memref<256xi32, #tpu.memory_space<vmem>> -> memref<32xi32, #tpu.memory_space<vmem>>
    %dma_wait3A_116 = arith.constant 0 : i32
    %dma_wait3A_117 = arith.constant 0 : i32
    %dma_wait3A_118 = tpu.memref_slice %arg2[%dma_wait3A_116, %dma_wait3A_117] : memref<100000x1024xf32, #tpu.memory_space<hbm>> -> memref<100000x1024xf32, #tpu.memory_space<hbm>>
    tpu.wait_indirect_dma semaphore(%arg11 : memref<!tpu.dma_semaphore, #tpu.memory_space<semaphore_mem>>) src(%dma_wait3A_118 : memref<100000x1024xf32, #tpu.memory_space<hbm>>) dst(%arg7 : memref<32x1024xf32, #tpu.memory_space<vmem>>)
    %add3A_119 = arith.constant 96 : i32
    %add3A_120 = arith.addi %add3A_35, %add3A_119 : i32
    %dma_start3A_121 = arith.constant 0 : i32
    %dma_start3A_122 = tpu.memref_slice %arg5[%add3A_120, %dma_start3A_121] : memref<8320x1024xf32, #tpu.memory_space<hbm>> -> memref<32x1024xf32, #tpu.memory_space<hbm>>
    %dma_start3A_123 = arith.constant 0 : i32
    %dma_start3A_124 = tpu.memref_slice %arg5[%add3A_120, %dma_start3A_123] : memref<8320x1024xf32, #tpu.memory_space<hbm>> -> memref<32x1024xf32, #tpu.memory_space<hbm>>
    tpu.enqueue_dma source(%arg7 : memref<32x1024xf32, #tpu.memory_space<vmem>>) target(%dma_start3A_124 : memref<32x1024xf32, #tpu.memory_space<hbm>>) target_semaphore(%arg14 : memref<!tpu.dma_semaphore, #tpu.memory_space<semaphore_mem>>)
    %dma_wait3A_125 = arith.constant 0 : i32
    %dma_wait3A_126 = tpu.memref_slice %arg5[%add3A_120, %dma_wait3A_125] : memref<8320x1024xf32, #tpu.memory_space<hbm>> -> memref<32x1024xf32, #tpu.memory_space<hbm>>
    %dma_wait3A_127 = arith.constant 0 : i32
    %dma_wait3A_128 = tpu.memref_slice %arg5[%add3A_120, %dma_wait3A_127] : memref<8320x1024xf32, #tpu.memory_space<hbm>> -> memref<32x1024xf32, #tpu.memory_space<hbm>>
    tpu.wait_dma2 semaphore(%arg14 : memref<!tpu.dma_semaphore, #tpu.memory_space<semaphore_mem>>) src(%arg7 : memref<32x1024xf32, #tpu.memory_space<vmem>>) dst(%dma_wait3A_128 : memref<32x1024xf32, #tpu.memory_space<hbm>>)
    %dma_start3A_129 = arith.constant 192 : i32
    %dma_start3A_130 = tpu.memref_slice %arg6[%dma_start3A_129] : memref<256xi32, #tpu.memory_space<vmem>> -> memref<32xi32, #tpu.memory_space<vmem>>
    %dma_start3A_131 = arith.constant 0 : i32
    %dma_start3A_132 = arith.constant 0 : i32
    %dma_start3A_133 = tpu.memref_slice %arg2[%dma_start3A_131, %dma_start3A_132] : memref<100000x1024xf32, #tpu.memory_space<hbm>> -> memref<100000x1024xf32, #tpu.memory_space<hbm>>
    tpu.enqueue_indirect_dma source(%dma_start3A_133 : memref<100000x1024xf32, #tpu.memory_space<hbm>>) target(%arg7 : memref<32x1024xf32, #tpu.memory_space<vmem>>) offsets(%dma_start3A_130 : memref<32xi32, #tpu.memory_space<vmem>>) semaphore(%arg11 : memref<!tpu.dma_semaphore, #tpu.memory_space<semaphore_mem>>)
    %dma_wait3A_134 = arith.constant 128 : i32
    %dma_wait3A_135 = tpu.memref_slice %arg6[%dma_wait3A_134] : memref<256xi32, #tpu.memory_space<vmem>> -> memref<32xi32, #tpu.memory_space<vmem>>
    %dma_wait3A_136 = arith.constant 0 : i32
    %dma_wait3A_137 = arith.constant 0 : i32
    %dma_wait3A_138 = tpu.memref_slice %arg2[%dma_wait3A_136, %dma_wait3A_137] : memref<100000x1024xf32, #tpu.memory_space<hbm>> -> memref<100000x1024xf32, #tpu.memory_space<hbm>>
    tpu.wait_indirect_dma semaphore(%arg12 : memref<!tpu.dma_semaphore, #tpu.memory_space<semaphore_mem>>) src(%dma_wait3A_138 : memref<100000x1024xf32, #tpu.memory_space<hbm>>) dst(%arg8 : memref<32x1024xf32, #tpu.memory_space<vmem>>)
    %add3A_139 = arith.constant 128 : i32
    %add3A_140 = arith.addi %add3A_35, %add3A_139 : i32
    %dma_start3A_141 = arith.constant 0 : i32
    %dma_start3A_142 = tpu.memref_slice %arg5[%add3A_140, %dma_start3A_141] : memref<8320x1024xf32, #tpu.memory_space<hbm>> -> memref<32x1024xf32, #tpu.memory_space<hbm>>
    %dma_start3A_143 = arith.constant 0 : i32
    %dma_start3A_144 = tpu.memref_slice %arg5[%add3A_140, %dma_start3A_143] : memref<8320x1024xf32, #tpu.memory_space<hbm>> -> memref<32x1024xf32, #tpu.memory_space<hbm>>
    tpu.enqueue_dma source(%arg8 : memref<32x1024xf32, #tpu.memory_space<vmem>>) target(%dma_start3A_144 : memref<32x1024xf32, #tpu.memory_space<hbm>>) target_semaphore(%arg15 : memref<!tpu.dma_semaphore, #tpu.memory_space<semaphore_mem>>)
    %dma_wait3A_145 = arith.constant 0 : i32
    %dma_wait3A_146 = tpu.memref_slice %arg5[%add3A_140, %dma_wait3A_145] : memref<8320x1024xf32, #tpu.memory_space<hbm>> -> memref<32x1024xf32, #tpu.memory_space<hbm>>
    %dma_wait3A_147 = arith.constant 0 : i32
    %dma_wait3A_148 = tpu.memref_slice %arg5[%add3A_140, %dma_wait3A_147] : memref<8320x1024xf32, #tpu.memory_space<hbm>> -> memref<32x1024xf32, #tpu.memory_space<hbm>>
    tpu.wait_dma2 semaphore(%arg15 : memref<!tpu.dma_semaphore, #tpu.memory_space<semaphore_mem>>) src(%arg8 : memref<32x1024xf32, #tpu.memory_space<vmem>>) dst(%dma_wait3A_148 : memref<32x1024xf32, #tpu.memory_space<hbm>>)
    %dma_start3A_149 = arith.constant 224 : i32
    %dma_start3A_150 = tpu.memref_slice %arg6[%dma_start3A_149] : memref<256xi32, #tpu.memory_space<vmem>> -> memref<32xi32, #tpu.memory_space<vmem>>
    %dma_start3A_151 = arith.constant 0 : i32
    %dma_start3A_152 = arith.constant 0 : i32
    %dma_start3A_153 = tpu.memref_slice %arg2[%dma_start3A_151, %dma_start3A_152] : memref<100000x1024xf32, #tpu.memory_space<hbm>> -> memref<100000x1024xf32, #tpu.memory_space<hbm>>
    tpu.enqueue_indirect_dma source(%dma_start3A_153 : memref<100000x1024xf32, #tpu.memory_space<hbm>>) target(%arg8 : memref<32x1024xf32, #tpu.memory_space<vmem>>) offsets(%dma_start3A_150 : memref<32xi32, #tpu.memory_space<vmem>>) semaphore(%arg12 : memref<!tpu.dma_semaphore, #tpu.memory_space<semaphore_mem>>)
    %dma_wait3A_154 = arith.constant 160 : i32
    %dma_wait3A_155 = tpu.memref_slice %arg6[%dma_wait3A_154] : memref<256xi32, #tpu.memory_space<vmem>> -> memref<32xi32, #tpu.memory_space<vmem>>
    %dma_wait3A_156 = arith.constant 0 : i32
    %dma_wait3A_157 = arith.constant 0 : i32
    %dma_wait3A_158 = tpu.memref_slice %arg2[%dma_wait3A_156, %dma_wait3A_157] : memref<100000x1024xf32, #tpu.memory_space<hbm>> -> memref<100000x1024xf32, #tpu.memory_space<hbm>>
    tpu.wait_indirect_dma semaphore(%arg13 : memref<!tpu.dma_semaphore, #tpu.memory_space<semaphore_mem>>) src(%dma_wait3A_158 : memref<100000x1024xf32, #tpu.memory_space<hbm>>) dst(%arg9 : memref<32x1024xf32, #tpu.memory_space<vmem>>)
    %add3A_159 = arith.constant 160 : i32
    %add3A_160 = arith.addi %add3A_35, %add3A_159 : i32
    %dma_start3A_161 = arith.constant 0 : i32
    %dma_start3A_162 = tpu.memref_slice %arg5[%add3A_160, %dma_start3A_161] : memref<8320x1024xf32, #tpu.memory_space<hbm>> -> memref<32x1024xf32, #tpu.memory_space<hbm>>
    %dma_start3A_163 = arith.constant 0 : i32
    %dma_start3A_164 = tpu.memref_slice %arg5[%add3A_160, %dma_start3A_163] : memref<8320x1024xf32, #tpu.memory_space<hbm>> -> memref<32x1024xf32, #tpu.memory_space<hbm>>
    tpu.enqueue_dma source(%arg9 : memref<32x1024xf32, #tpu.memory_space<vmem>>) target(%dma_start3A_164 : memref<32x1024xf32, #tpu.memory_space<hbm>>) target_semaphore(%arg16 : memref<!tpu.dma_semaphore, #tpu.memory_space<semaphore_mem>>)
    %dma_wait3A_165 = arith.constant 192 : i32
    %dma_wait3A_166 = tpu.memref_slice %arg6[%dma_wait3A_165] : memref<256xi32, #tpu.memory_space<vmem>> -> memref<32xi32, #tpu.memory_space<vmem>>
    %dma_wait3A_167 = arith.constant 0 : i32
    %dma_wait3A_168 = arith.constant 0 : i32
    %dma_wait3A_169 = tpu.memref_slice %arg2[%dma_wait3A_167, %dma_wait3A_168] : memref<100000x1024xf32, #tpu.memory_space<hbm>> -> memref<100000x1024xf32, #tpu.memory_space<hbm>>
    tpu.wait_indirect_dma semaphore(%arg11 : memref<!tpu.dma_semaphore, #tpu.memory_space<semaphore_mem>>) src(%dma_wait3A_169 : memref<100000x1024xf32, #tpu.memory_space<hbm>>) dst(%arg7 : memref<32x1024xf32, #tpu.memory_space<vmem>>)
    %add3A_170 = arith.constant 192 : i32
    %add3A_171 = arith.addi %add3A_35, %add3A_170 : i32
    %dma_start3A_172 = arith.constant 0 : i32
    %dma_start3A_173 = tpu.memref_slice %arg5[%add3A_171, %dma_start3A_172] : memref<8320x1024xf32, #tpu.memory_space<hbm>> -> memref<32x1024xf32, #tpu.memory_space<hbm>>
    %dma_start3A_174 = arith.constant 0 : i32
    %dma_start3A_175 = tpu.memref_slice %arg5[%add3A_171, %dma_start3A_174] : memref<8320x1024xf32, #tpu.memory_space<hbm>> -> memref<32x1024xf32, #tpu.memory_space<hbm>>
    tpu.enqueue_dma source(%arg7 : memref<32x1024xf32, #tpu.memory_space<vmem>>) target(%dma_start3A_175 : memref<32x1024xf32, #tpu.memory_space<hbm>>) target_semaphore(%arg14 : memref<!tpu.dma_semaphore, #tpu.memory_space<semaphore_mem>>)
    %dma_wait3A_176 = arith.constant 224 : i32
    %dma_wait3A_177 = tpu.memref_slice %arg6[%dma_wait3A_176] : memref<256xi32, #tpu.memory_space<vmem>> -> memref<32xi32, #tpu.memory_space<vmem>>
    %dma_wait3A_178 = arith.constant 0 : i32
    %dma_wait3A_179 = arith.constant 0 : i32
    %dma_wait3A_180 = tpu.memref_slice %arg2[%dma_wait3A_178, %dma_wait3A_179] : memref<100000x1024xf32, #tpu.memory_space<hbm>> -> memref<100000x1024xf32, #tpu.memory_space<hbm>>
    tpu.wait_indirect_dma semaphore(%arg12 : memref<!tpu.dma_semaphore, #tpu.memory_space<semaphore_mem>>) src(%dma_wait3A_180 : memref<100000x1024xf32, #tpu.memory_space<hbm>>) dst(%arg8 : memref<32x1024xf32, #tpu.memory_space<vmem>>)
    %add3A_181 = arith.constant 224 : i32
    %add3A_182 = arith.addi %add3A_35, %add3A_181 : i32
    %dma_start3A_183 = arith.constant 0 : i32
    %dma_start3A_184 = tpu.memref_slice %arg5[%add3A_182, %dma_start3A_183] : memref<8320x1024xf32, #tpu.memory_space<hbm>> -> memref<32x1024xf32, #tpu.memory_space<hbm>>
    %dma_start3A_185 = arith.constant 0 : i32
    %dma_start3A_186 = tpu.memref_slice %arg5[%add3A_182, %dma_start3A_185] : memref<8320x1024xf32, #tpu.memory_space<hbm>> -> memref<32x1024xf32, #tpu.memory_space<hbm>>
    tpu.enqueue_dma source(%arg8 : memref<32x1024xf32, #tpu.memory_space<vmem>>) target(%dma_start3A_186 : memref<32x1024xf32, #tpu.memory_space<hbm>>) target_semaphore(%arg15 : memref<!tpu.dma_semaphore, #tpu.memory_space<semaphore_mem>>)
    %dma_wait3A_187 = arith.constant 0 : i32
    %dma_wait3A_188 = tpu.memref_slice %arg5[%add3A_160, %dma_wait3A_187] : memref<8320x1024xf32, #tpu.memory_space<hbm>> -> memref<32x1024xf32, #tpu.memory_space<hbm>>
    %dma_wait3A_189 = arith.constant 0 : i32
    %dma_wait3A_190 = tpu.memref_slice %arg5[%add3A_160, %dma_wait3A_189] : memref<8320x1024xf32, #tpu.memory_space<hbm>> -> memref<32x1024xf32, #tpu.memory_space<hbm>>
    tpu.wait_dma2 semaphore(%arg16 : memref<!tpu.dma_semaphore, #tpu.memory_space<semaphore_mem>>) src(%arg9 : memref<32x1024xf32, #tpu.memory_space<vmem>>) dst(%dma_wait3A_190 : memref<32x1024xf32, #tpu.memory_space<hbm>>)
    %dma_wait3A_191 = arith.constant 0 : i32
    %dma_wait3A_192 = tpu.memref_slice %arg5[%add3A_171, %dma_wait3A_191] : memref<8320x1024xf32, #tpu.memory_space<hbm>> -> memref<32x1024xf32, #tpu.memory_space<hbm>>
    %dma_wait3A_193 = arith.constant 0 : i32
    %dma_wait3A_194 = tpu.memref_slice %arg5[%add3A_171, %dma_wait3A_193] : memref<8320x1024xf32, #tpu.memory_space<hbm>> -> memref<32x1024xf32, #tpu.memory_space<hbm>>
    tpu.wait_dma2 semaphore(%arg14 : memref<!tpu.dma_semaphore, #tpu.memory_space<semaphore_mem>>) src(%arg7 : memref<32x1024xf32, #tpu.memory_space<vmem>>) dst(%dma_wait3A_194 : memref<32x1024xf32, #tpu.memory_space<hbm>>)
    %dma_wait3A_195 = arith.constant 0 : i32
    %dma_wait3A_196 = tpu.memref_slice %arg5[%add3A_182, %dma_wait3A_195] : memref<8320x1024xf32, #tpu.memory_space<hbm>> -> memref<32x1024xf32, #tpu.memory_space<hbm>>
    %dma_wait3A_197 = arith.constant 0 : i32
    %dma_wait3A_198 = tpu.memref_slice %arg5[%add3A_182, %dma_wait3A_197] : memref<8320x1024xf32, #tpu.memory_space<hbm>> -> memref<32x1024xf32, #tpu.memory_space<hbm>>
    tpu.wait_dma2 semaphore(%arg15 : memref<!tpu.dma_semaphore, #tpu.memory_space<semaphore_mem>>) src(%arg8 : memref<32x1024xf32, #tpu.memory_space<vmem>>) dst(%dma_wait3A_198 : memref<32x1024xf32, #tpu.memory_space<hbm>>)
    return
  }
}

</mosaic_0001>

<sc_bundles>
// kernel: kernel.3.cloned.1.call-start
scs
__scs_entry_jumppad:
0x0: {  	(pc) =	sbr.rel $0x88, $3  }
0x1: {  	(tag) =	ssettag $0x0;
	lr =	simm.s32 $0x1  }
0x2: {  	[smem:$0x3F9E] =	sst lr;
	_ =	strace $0xD0000000  }
0x3: {  	_ = 	snop  }
0x4: {  	_ = 	snop  }
0x5: {  	_ = 	snop  }
0x6: {  	_ = 	snop  }
0x7: {  	_ = 	snop  }
__scs_overlays_trampoline_lowered:
0x8: {  	[smem:$0x3FAD] =	sst s0  }
0x9: {  	[smem:$0x3FAE] =	sst s1  }
0xa: {  	[smem:$0x3FAF] =	sst s2  }
0xb: {  	[smem:$0x3FB0] =	sst s3  }
0xc: {  	[smem:$0x3FB1] =	sst s4  }
0xd: {  	[smem:$0x3FB2] =	sst s5  }
0xe: {  	[smem:$0x3FB3] =	sst s6  }
0xf: {  	[smem:$0x3FB4] =	sst s7  }
0x10: {  	[smem:$0x3FB5] =	sst s8  }
0x11: {  	[smem:$0x3FB6] =	sst s9;
	s0 =	simm.s32 @!p0 $0x0  }
0x12: {  	s1 =	sld [smem:$0x3F9C];
	s0 =	simm.s32 @p0 $0x1  }
0x13: {  	[smem:$0x3FB7] =	sst s0;
	s0 =	simm.s32 @!p1 $0x0  }
0x14: {  	s2 =	sld [smem:$0x3F9B];
	s0 =	simm.s32 @p1 $0x1  }
0x15: {  	[smem:$0x3FB8] =	sst s0;
	s0 =	simm.s32 @!p2 $0x0  }
0x16: {  	s3 =	sld [smem:$0x3FDB];
	s0 =	simm.s32 @p2 $0x1  }
0x17: {  	s4 =	simm.s32 $0x1BF5;
	[smem:$0x3FBA] =	sst s0  }
0x18: {  	s0 =	sld [smem:$0x3F9D];
	_ =	swait.ge [sflag:s4], $0x0  }
0x19: {  	s7 =	sld [smem:$0x3F9E]  }
0x1a: {  	s8 =	sadd.s32 $0xFFFFE003, lr  }
0x1b: {  	s9 =	sadd.s32 $0xFFFFFEF7, lr;
	s5 =	simm.s32 $0xFFFFFFFF;
	p2 =	slt.u32 s8, $0xFFFFF086  }
0x1c: {  	p1 =	slt.u32 s9, $0xF7A;
	s5 =	simm.s32 @!p2 $0x0  }
0x1d: {  	s5 =	simm.s32 @p1 $0x1;
	p0 =	seq.s32 s7, s2  }
0x1e: {  	s7 =	smul.u32 @!p0 $0xF7A, s2;
	p2 =	seq.s32 @!p0 s5, $0x0  }
0x1f: {  	s9 =	smul.u32 $0xF7A, s1;
	s8 =	simm.s32 @!p0 $0x1BF5;
	p2 =	por !p2, p0  }
0x20: {  	[sflag:s8] =	ssyncset.s32 @!p0 $0xFFFFF086;
	s6 =	sadd.s32 @!p0 s3, s7;
	s7 =	simm.s32 @!p0 $0x108  }
0x21: {  	s3 =	sadd.s32 s3, s9;
	s6 =	sadd.s32 @!p0 $0x88, s6;
	s7 =	simm.s32 @p2 $0x1082  }
0x22: {  	[simem:s7], [sflag:s8] =	dma.local @!p0 [hbm:s6], $0xF7A  }
0x23: {  	s9 =	sor.u32 $0xD0000000, s2;
	s6 =	simm.s32 $0x108;
	_ =	swait.ge @!p0 [sflag:s8], $0x0  }
0x24: {  	s3 =	sadd.s32 $0x88, s3;
	s6 =	simm.s32 @!p1 $0x1082;
	[sflag:s4] =	ssyncset.s32 $0xFFFFF086  }
0x25: {  	[simem:s6], [sflag:s4] =	dma.local [hbm:s3], $0xF7A  }
0x26: {  	[smem:$0x3F9E] =	sst s1;
	(tag) =	ssettag s2;
	_ =	strace s9  }
0x27: {  	s1 =	sld [smem:$0x3FAE]  }
0x28: {  	s2 =	sld [smem:$0x3FAF]  }
0x29: {  	s4 =	sld [smem:$0x3FB1]  }
0x2a: {  	p0 =	seq.s32 s5, $0x0;
	s5 =	sld [smem:$0x3FB2]  }
0x2b: {  	s6 =	sld [smem:$0x3FB3]  }
0x2c: {  	s7 =	sld [smem:$0x3FB4]  }
0x2d: {  	s3 =	simm.s32 $0x108;
	s8 =	sld [smem:$0x3FB5]  }
0x2e: {  	s3 =	simm.s32 @!p0 $0x1082;
	s9 =	sld [smem:$0x3FB6]  }
0x2f: {  	lr =	sadd.s32 s0, s3;
	s0 =	sld [smem:$0x3FAD]  }
0x30: {  	s3 =	sld [smem:$0x3FB0]  }
0x31: {  	[smem:$0x3FB9] =	sst s10  }
0x32: {  	s10 =	sld [smem:$0x3FB7];
	_ =	sdelay $0x3  }
0x33: {  	p0 =	seq.s32 s10, $0x1;
	s10 =	sld [smem:$0x3FB9];
	_ =	sdelay $0x3  }
0x34: {  	[smem:$0x3FB9] =	sst s10  }
0x35: {  	s10 =	sld [smem:$0x3FB8];
	_ =	sdelay $0x3  }
0x36: {  	p1 =	seq.s32 s10, $0x1;
	s10 =	sld [smem:$0x3FB9];
	_ =	sdelay $0x3  }
0x37: {  	[smem:$0x3FB9] =	sst s10  }
0x38: {  	s10 =	sld [smem:$0x3FBA]  }
0x39: {  	_ = 	snop;
	(pc) =	sbr.ind lr, $3  }
0x3a: {  	_ = 	snop  }
0x3b: {  	_ = 	snop  }
0x3c: {  	p2 =	seq.s32 s10, $0x1;
	s10 =	sld [smem:$0x3FB9]  }
0x3d: {  	_ =	shalt  }
0x3e: {  	_ =	shalt  }
0x3f: {  	_ =	shalt  }
0x40: {  	_ =	shalt  }
0x41: {  	_ =	shalt  }
0x42: {  	_ =	shalt  }
0x43: {  	_ =	shalt  }
0x44: {  	_ =	shalt  }
0x45: {  	_ =	shalt  }
0x46: {  	_ =	shalt  }
0x47: {  	_ =	shalt  }
0x48: {  	_ =	shalt  }
0x49: {  	_ =	shalt  }
0x4a: {  	_ =	shalt  }
0x4b: {  	_ =	shalt  }
0x4c: {  	_ =	shalt  }
0x4d: {  	_ =	shalt  }
0x4e: {  	_ =	shalt  }
0x4f: {  	_ =	shalt  }
0x50: {  	_ =	shalt  }
0x51: {  	_ =	shalt  }
0x52: {  	_ =	shalt  }
0x53: {  	_ =	shalt  }
0x54: {  	_ =	shalt  }
0x55: {  	_ =	shalt  }
0x56: {  	_ =	shalt  }
0x57: {  	_ =	shalt  }
0x58: {  	_ =	shalt  }
0x59: {  	_ =	shalt  }
0x5a: {  	_ =	shalt  }
0x5b: {  	_ =	shalt  }
0x5c: {  	_ =	shalt  }
0x5d: {  	_ =	shalt  }
0x5e: {  	_ =	shalt  }
0x5f: {  	_ =	shalt  }
0x60: {  	_ =	shalt  }
0x61: {  	_ =	shalt  }
0x62: {  	_ =	shalt  }
0x63: {  	_ =	shalt  }
0x64: {  	_ =	shalt  }
0x65: {  	_ =	shalt  }
0x66: {  	_ =	shalt  }
0x67: {  	_ =	shalt  }
0x68: {  	_ =	shalt  }
0x69: {  	_ =	shalt  }
0x6a: {  	_ =	shalt  }
0x6b: {  	_ =	shalt  }
0x6c: {  	_ =	shalt  }
0x6d: {  	_ =	shalt  }
0x6e: {  	_ =	shalt  }
0x6f: {  	_ =	shalt  }
0x70: {  	_ =	shalt  }
0x71: {  	_ =	shalt  }
0x72: {  	_ =	shalt  }
0x73: {  	_ =	shalt  }
0x74: {  	_ =	shalt  }
0x75: {  	_ =	shalt  }
0x76: {  	_ =	shalt  }
0x77: {  	_ =	shalt  }
0x78: {  	_ =	shalt  }
0x79: {  	_ =	shalt  }
0x7a: {  	_ =	shalt  }
0x7b: {  	_ =	shalt  }
0x7c: {  	_ =	shalt  }
0x7d: {  	_ =	shalt  }
0x7e: {  	_ =	shalt  }
0x7f: {  	_ =	shalt  }
0x80: {  	_ =	shalt  }
0x81: {  	_ =	shalt  }
0x82: {  	_ =	shalt  }
0x83: {  	_ =	shalt  }
0x84: {  	_ =	shalt  }
0x85: {  	_ =	shalt  }
0x86: {  	_ =	shalt  }
0x87: {  	_ =	shalt  }
.Lfunc_end0:
.L_simem_size_0:
called_computation_lowered:
.L_overlay_start_0:
0x88: {  	s2 =	sld [smem:$0x3FD9]  }
0x89: {  	s3 =	sld [smem:$0x3FFE];
	_ =	sdelay $0x1  }
0x8a: {  	s1 =	srdreg.scid  }
0x8b: {  	s0 =	sand.u32 $0x1, s1  }
0x8c: {  	s18 =	sshll.u32 s0, $0xA;
	s2 =	sadd.s32 s3, s2  }
0x8d: {  	s2 =	sadd.s32 s2, s18  }
0x8e: {  	[smem:$0x3FC5] =	sst s2  }
0x8f: {  	_ = 	snop  }
0x90: {  	s2 =	sld [smem:$0x3FC9]  }
0x91: {  	s19 =	sld [smem:$0x3FC8]  }
0x92: {  	s4 =	sld [smem:$0x3FC7]  }
0x93: {  	s5 =	sld [smem:$0x3FD0];
	(tm) =	ssettm $0x1  }
0x94: {  	s6 =	sld [smem:$0x3FFB];
	_ =	sdelay $0x3  }
0x95: {  	_ =	strace s6  }
0x96: {  	s6 =	sld [smem:$0x3FFC];
	_ =	sdelay $0x3  }
0x97: {  	_ =	strace s6  }
0x98: {  	s6 =	sld [smem:$0x3FFD];
	_ =	sdelay $0x3  }
0x99: {  	_ =	strace s6  }
0x9a: {  	_ =	strace $0x8FFFFFFF  }
0x9b: {  	s20 =	sld [smem:$0x3FDB];
	_ =	sdelay $0x1  }
0x9c: {  	s7 =	simm.s32 $_scs_section_size  }
0x9d: {  	s8 =	simm.s32 $_size__tile_overlayer_lowered;
	s9 =	simm.s32 $_tile_overlayer_lowered  }
0x9e: {  	s23 =	simm.s32 $0x1BFF;
	s22 =	sshll.u32 s9, $0x1;
	s6 =	sadd.s32 s7, s20  }
0x9f: {  	s10 =	simm.s32 $0x0;
	s21 =	sshll.u32 s8, $0x1;
	s8 =	sadd.s32 s22, s6  }
0xa0: {  	[timem:s10], [sflag:s23] =	dma.local [hbm:s8], s21  }
0xa1: {  	_ =	swait.ge [sflag:s23], s21  }
0xa2: {  	s7 =	ssub.s32 $0x0, s21;
	[sflag:s23] =	ssyncset.done $0x0  }
0xa3: {  	[sflag:s23] =	ssyncadd.s32 s7;
	_ =	sdelay $0x1  }
0xa4: {  	s24 =	simm.s32 $0x1B8B  }
0xa5: {  	_ =	swait.ge [sflag:s24], $0x1  }
0xa6: {  	[sflag:s24] =	ssyncset.done $0x0  }
0xa7: {  	s25 =	simm.s32 $0x1B8E;
	[sflag:s24] =	ssyncadd.s32 $0xFFFFFFFF  }
0xa8: {  	s26 =	simm.s32 $execute0_lowered;
	[smem:$0x3FD2] =	sst s25  }
0xa9: {  	s7 =	sshll.u32 s26, $0x1;
	_ =	strace $0x80000046;
	[dreg:$0x1] =	wrdreg $0xFFFFFFFF  }
0xaa: {  	s28 =	simm.s32 $_size_execute0_lowered;
	s6 =	sadd.s32 s6, s7;
	[dreg:$0x0] =	wrdreg $0x0  }
0xab: {  	s7 =	sshll.u32 s28, $0x1;
	[dreg:$0x2] =	wrdreg s6  }
0xac: {  	[dreg:$0x3] =	wrdreg s7  }
0xad: {  	[dreg:$0x4] =	wrdreg $0xC0  }
0xae: {  	_ =	task [dreg:s10], $0x5FFFF  }
0xaf: {  	[dreg:$0x1] =	wrdreg $0xFFFFFFFF  }
0xb0: {  	[dreg:$0x0] =	wrdreg $0x60  }
0xb1: {  	[dreg:$0x2] =	wrdreg s19  }
0xb2: {  	[dreg:$0x3] =	wrdreg s2  }
0xb3: {  	[dreg:$0x4] =	wrdreg s4  }
0xb4: {  	[dreg:$0x5] =	wrdreg s5  }
0xb5: {  	[dreg:$0x6] =	wrdreg $0x9  }
0xb6: {  	_ =	task.clear_ibuf [dreg:s10], $0x7FFFF;
	_ =	strace $0x90000046  }
0xb7: {  	s29 =	simm.s32 $0x9;
	_ =	strace $0x80000048  }
0xb8: {  	_ =	swait.ge [sflag:s29], $0x1  }
0xb9: {  	[sflag:s29] =	ssyncadd.s32 $0xFFFFFFFF  }
0xba: {  	_ =	strace $0x90000048  }
0xbb: {  	_ =	sfence  }
0xbc: {  	s30 =	sld [smem:$0x0];
	_ =	sdelay $0x2  }
0xbd: {  	s31 =	sshll.u32 s1, $0xD;
	s1 =	sshrl.u32 s1, $0x2  }
0xbe: {  	s3 =	sand.u32 $0x4000, s31;
	s1 =	sadd.s32 s1, s30  }
0xbf: {  	s0 =	sor.u32 s3, s0;
	s1 =	sshll.u32 s1, $0x11  }
0xc0: {  	s0 =	sor.u32 s1, s0  }
0xc1: {  	s0 =	sadd.s32 $0x8F2B, s0  }
0xc2: {  	[sflag:s0] =	ssyncadd.remote.s32 $0x1  }
0xc3: {  	_ =	sfence.sel $0xFFFF  }
0xc4: {  	[dreg:$0x0] =	wrdreg $0xFFFFFFFF;
	(pc) =	sbr.abs _section_cstart, $3  }
0xc5: {  	[dreg:$0x1] =	wrdreg $0xFFFFFFFF  }
0xc6: {  	_ =	task.clear_ibuf [dreg:s10], $0x2FFFF;
	_ =	strace $0x9FFFFFFF  }
0xc7: {  	(tm) =	ssettm $0x7FFFFFFF  }
tec
execute0_lowered:
.L_overlay_start_1:
0x0: {  	(tag) =	ssettag $0x1  }
0x1: {  	s1 =	rddreg [dreg:$0x0]  }
0x2: {  	s0 =	rddreg [dreg:$0x1]  }
0x3: {  	s2 =	rddreg [dreg:$0x2]  }
0x4: {  	s4 =	rddreg [dreg:$0x3]  }
0x5: {  	s3 =	srdreg.scid;
	s11 =	stileid.u32;
	s29 =	simm.s32 $0x80  }
0x6: {  	s30 =	simm.s32 $0x200;
	s31 =	simm.s32 $0x3;
	s12 =	simm.s32 $0x14100  }
0x7: {  	s13 =	simm.s32 $0x14900;
	s5 =	sand.u32 $0x1, s3;
	s6 =	sshll.u32 s11, $0x1  }
0x8: {  	s3 =	simm.s32 $0x0;
	s7 =	sshrl.u32 s11, $0x2;
	s14 =	sshrl.u32 s11, $0x1  }
0x9: {  	p0 =	sgt.u32 s11, $0x7;
	s11 =	simm.s32 $0x13900;
	s6 =	sor.u32 s5, s6  }
0xa: {  	[smem:$0x7FF] =	sst s3;
	s9 =	sshll.u32 s7, $0x4;
	s16 =	smul.u32 $0x41000, s7  }
0xb: {  	s21 =	ssub.s32 $0x2, s5;
	s5 =	sadd.s32 $0x100, s1;
	s7 =	sadd.s32 $0x300, s1  }
0xc: {  	s8 =	sand.u32 $0x7, s6;
	s0 =	sadd.s32 s0, s9;
	_ =	strace $0x80000047  }
0xd: {  	s9 =	smul.u32 $0x41000, s14;
	s15 =	sshll.u32 s6, $0xA;
	[dreg:$0xf] =	wrdreg s29  }
0xe: {  	s23 =	sshrl.u32 s21, $0x1;
	[dreg:$0x10] =	wrdreg s30;
	s10 =	sshll.u32 s8, $0x7  }
0xf: {  	s14 =	simm.s32 $0x15100;
	s8 =	sshll.u32 s8, $0xF;
	s0 =	sadd.s32 s10, s0  }
0x10: {  	s17 =	sadd.s32 s9, s4;
	s6 =	sadd.s32 s16, s8;
	s9 =	simm.s32 $0x12900  }
0x11: {  	[dreg:$0x5] =	wrdreg s0;
	s0 =	sand.u32 $0xC00, s15;
	s18 =	sadd.s32 s4, s6  }
0x12: {  	s10 =	simm.s32 $0x13100;
	s2 =	sadd.s32 s2, s0;
	[dreg:$0x11] =	wrdreg s18  }
0x13: {  	s16 =	simm.s32 $0x16100;
	s19 =	sadd.s32 $0x1000, s18;
	[dreg:$0x6] =	wrdreg s2  }
0x14: {  	s6 =	sadd.s32 $0x200, s1;
	s20 =	sadd.s32 $0x2000, s18;
	[dreg:$0x8] =	wrdreg s19  }
0x15: {  	s4 =	simm.s32 $0x12100;
	s22 =	sadd.s32 $0x3000, s18;
	[dreg:$0x9] =	wrdreg s20  }
0x16: {  	s15 =	simm.s32 $0x15900;
	s24 =	sadd.s32 $0x4000, s18;
	[dreg:$0xa] =	wrdreg s22  }
0x17: {  	s0 =	sadd.s32 s0, s17;
	s25 =	sadd.s32 $0x5000, s18;
	[dreg:$0xb] =	wrdreg s24  }
0x18: {  	s26 =	sadd.s32 $0x6000, s18;
	s28 =	sadd.s32 $0x7000, s18;
	[dreg:$0xc] =	wrdreg s25  }
0x19: {  	s17 =	simm.s32 $0x16900;
	s18 =	simm.s32 $0x17100;
	[dreg:$0xd] =	wrdreg s26  }
0x1a: {  	s0 =	sadd.s32 $0x40000, s0;
	s2 =	ssub.s32 s21, s23;
	[dreg:$0xe] =	wrdreg s28  }
0x1b: {  	v2 =	vlaneseq.u32;
	s19 =	simm.s32 $0x1;
	s20 =	simm.s32 $0x4;
	s21 =	simm.s32 $0x2  }
0x1c: {  	vm0 =	vmmov $0xffff;
	v1 =	vshrl.u32 v2, $0x3;
	s22 =	simm.s32 $0x5;
	s24 =	simm.s32 $0x6;
	s26 =	simm.s32 $0x100  }
0x1d: {  	v0 =	vand.u32 $0x7, v2;
	v2 =	vor.u32 $0x8, v2;
	v1 =	vmul.u32 $0x8, v1;
	s23 =	simm.s32 $0x17900;
	[dreg:$0x7] =	wrdreg s0;
	s8 =	smax.u32 s2, $0x1  }
.LBB2_1:
0x1e: {  	s25 =	rddreg [dreg:$0x5]  }
0x1f: {  	s28 =	rddreg [dreg:$0xf]  }
0x20: {  	s29 =	rddreg [dreg:$0x10]  }
0x21: {  	[tilespmem:s3], [sflag:$0x8] =	stream.strided.gather [hbm4b:s25+s28], $0x100, s29, s28, $0x38;
	[tilespmem:$0x1A100] =	vst v63  }
0x22: {  	s29 =	simm.s32 $0x8  }
0x23: {  	_ =	swait.ge [sflag:s29], $0x100  }
0x24: {  	[sflag:s29] =	ssyncset.done $0x0  }
0x25: {  	[sflag:s29] =	ssyncadd.s32 $0xFFFFFF00  }
0x26: {  	v3 =	vld [tilespmem:$0x0];
	_ =	sdelay $0x4  }
0x27: {  	v4 =	vshll.u32 v3, $0x3  }
0x28: {  	v3 =	vand.u32 $0x7, v3;
	v4 =	vand.u32 $0xFFFFFFC0, v4  }
0x29: {  	v3 =	vor.u32 v3, v4  }
0x2a: {  	v4 =	vperm.xlane v3, v0;
	_ =	sdelay $0x1  }
0x2b: {  	v4 =	vadd.s32 v1, v4;
	_ =	sdelay $0x4  }
0x2c: {  	[tilespmem:s26], [sflag:$0x1] =	stream.indirect_vreg.gather [hbm4b:s1+s3], $0x80, v4, vm0, $0xb8;
	[tilespmem:$0x1A100] =	vst v63  }
0x2d: {  	s0 =	simm.s32 $0x900;
	v3 =	vperm.xlane v3, v2  }
0x2e: {  	[tilespmem:s0], [sflag:$0x1] =	stream.indirect_vreg.gather [hbm4b:s5+s3], $0x80, v4, vm0, $0xb8;
	[tilespmem:$0x1A100] =	vst v63  }
0x2f: {  	s30 =	simm.s32 $0x1100;
	v3 =	vadd.s32 v1, v3  }
0x30: {  	[tilespmem:s30], [sflag:$0x1] =	stream.indirect_vreg.gather [hbm4b:s6+s3], $0x80, v4, vm0, $0xb8;
	[tilespmem:$0x1A100] =	vst v63  }
0x31: {  	s2 =	simm.s32 $0x1900  }
0x32: {  	[tilespmem:s2], [sflag:$0x1] =	stream.indirect_vreg.gather [hbm4b:s7+s3], $0x80, v4, vm0, $0xb8;
	[tilespmem:$0x1A100] =	vst v63  }
0x33: {  	s25 =	simm.s32 $0x2100  }
0x34: {  	[tilespmem:s25], [sflag:$0x1] =	stream.indirect_vreg.gather [hbm4b:s1+s3], $0x80, v3, vm0, $0xb8;
	[tilespmem:$0x1A100] =	vst v63  }
0x35: {  	s28 =	simm.s32 $0x2900  }
0x36: {  	[tilespmem:s28], [sflag:$0x1] =	stream.indirect_vreg.gather [hbm4b:s5+s3], $0x80, v3, vm0, $0xb8;
	[tilespmem:$0x1A100] =	vst v63  }
0x37: {  	s29 =	simm.s32 $0x3100  }
0x38: {  	[tilespmem:s29], [sflag:$0x1] =	stream.indirect_vreg.gather [hbm4b:s6+s3], $0x80, v3, vm0, $0xb8;
	[tilespmem:$0x1A100] =	vst v63  }
0x39: {  	s30 =	simm.s32 $0x3900  }
0x3a: {  	[tilespmem:s30], [sflag:$0x1] =	stream.indirect_vreg.gather [hbm4b:s7+s3], $0x80, v3, vm0, $0xb8;
	[tilespmem:$0x1A100] =	vst v63  }
0x3b: {  	v3 =	vld [tilespmem:$0x10];
	_ =	sdelay $0x4  }
0x3c: {  	v49 =	vshll.u32 v3, $0x3  }
0x3d: {  	v3 =	vand.u32 $0x7, v3;
	v4 =	vand.u32 $0xFFFFFFC0, v49  }
0x3e: {  	v3 =	vor.u32 v3, v4  }
0x3f: {  	v4 =	vperm.xlane v3, v0;
	_ =	sdelay $0x1  }
0x40: {  	v4 =	vadd.s32 v1, v4;
	_ =	sdelay $0x3  }
0x41: {  	s2 =	simm.s32 $0x4100  }
0x42: {  	[tilespmem:s2], [sflag:$0x1] =	stream.indirect_vreg.gather [hbm4b:s1+s3], $0x80, v4, vm0, $0xb8;
	[tilespmem:$0x1A100] =	vst v63  }
0x43: {  	s25 =	simm.s32 $0x4900;
	v3 =	vperm.xlane v3, v2  }
0x44: {  	[tilespmem:s25], [sflag:$0x1] =	stream.indirect_vreg.gather [hbm4b:s5+s3], $0x80, v4, vm0, $0xb8;
	[tilespmem:$0x1A100] =	vst v63  }
0x45: {  	s28 =	simm.s32 $0x5100;
	v3 =	vadd.s32 v1, v3  }
0x46: {  	[tilespmem:s28], [sflag:$0x1] =	stream.indirect_vreg.gather [hbm4b:s6+s3], $0x80, v4, vm0, $0xb8;
	[tilespmem:$0x1A100] =	vst v63  }
0x47: {  	s29 =	simm.s32 $0x5900  }
0x48: {  	[tilespmem:s29], [sflag:$0x1] =	stream.indirect_vreg.gather [hbm4b:s7+s3], $0x80, v4, vm0, $0xb8;
	[tilespmem:$0x1A100] =	vst v63  }
0x49: {  	s30 =	simm.s32 $0x6100  }
0x4a: {  	[tilespmem:s30], [sflag:$0x1] =	stream.indirect_vreg.gather [hbm4b:s1+s3], $0x80, v3, vm0, $0xb8;
	[tilespmem:$0x1A100] =	vst v63  }
0x4b: {  	s2 =	simm.s32 $0x6900  }
0x4c: {  	[tilespmem:s2], [sflag:$0x1] =	stream.indirect_vreg.gather [hbm4b:s5+s3], $0x80, v3, vm0, $0xb8;
	[tilespmem:$0x1A100] =	vst v63  }
0x4d: {  	s25 =	simm.s32 $0x7100  }
0x4e: {  	[tilespmem:s25], [sflag:$0x1] =	stream.indirect_vreg.gather [hbm4b:s6+s3], $0x80, v3, vm0, $0xb8;
	[tilespmem:$0x1A100] =	vst v63  }
0x4f: {  	s28 =	simm.s32 $0x7900  }
0x50: {  	[tilespmem:s28], [sflag:$0x1] =	stream.indirect_vreg.gather [hbm4b:s7+s3], $0x80, v3, vm0, $0xb8;
	[tilespmem:$0x1A100] =	vst v63  }
0x51: {  	v3 =	vld [tilespmem:$0x20];
	_ =	sdelay $0x4  }
0x52: {  	v50 =	vshll.u32 v3, $0x3  }
0x53: {  	v3 =	vand.u32 $0x7, v3;
	v4 =	vand.u32 $0xFFFFFFC0, v50  }
0x54: {  	v3 =	vor.u32 v3, v4  }
0x55: {  	v4 =	vperm.xlane v3, v0;
	_ =	sdelay $0x1  }
0x56: {  	v4 =	vadd.s32 v1, v4;
	_ =	sdelay $0x3  }
0x57: {  	s0 =	simm.s32 $0x8100  }
0x58: {  	[tilespmem:s0], [sflag:$0x2] =	stream.indirect_vreg.gather [hbm4b:s1+s3], $0x80, v4, vm0, $0xb8;
	[tilespmem:$0x1A100] =	vst v63  }
0x59: {  	s2 =	simm.s32 $0x8900;
	v3 =	vperm.xlane v3, v2  }
0x5a: {  	[tilespmem:s2], [sflag:$0x2] =	stream.indirect_vreg.gather [hbm4b:s5+s3], $0x80, v4, vm0, $0xb8;
	[tilespmem:$0x1A100] =	vst v63  }
0x5b: {  	s29 =	simm.s32 $0x9100;
	v3 =	vadd.s32 v1, v3  }
0x5c: {  	[tilespmem:s29], [sflag:$0x2] =	stream.indirect_vreg.gather [hbm4b:s6+s3], $0x80, v4, vm0, $0xb8;
	[tilespmem:$0x1A100] =	vst v63  }
0x5d: {  	s30 =	simm.s32 $0x9900  }
0x5e: {  	[tilespmem:s30], [sflag:$0x2] =	stream.indirect_vreg.gather [hbm4b:s7+s3], $0x80, v4, vm0, $0xb8;
	[tilespmem:$0x1A100] =	vst v63  }
0x5f: {  	s25 =	simm.s32 $0xA100  }
0x60: {  	[tilespmem:s25], [sflag:$0x2] =	stream.indirect_vreg.gather [hbm4b:s1+s3], $0x80, v3, vm0, $0xb8;
	[tilespmem:$0x1A100] =	vst v63  }
0x61: {  	s28 =	simm.s32 $0xA900  }
0x62: {  	[tilespmem:s28], [sflag:$0x2] =	stream.indirect_vreg.gather [hbm4b:s5+s3], $0x80, v3, vm0, $0xb8;
	[tilespmem:$0x1A100] =	vst v63  }
0x63: {  	s29 =	simm.s32 $0xB100  }
0x64: {  	[tilespmem:s29], [sflag:$0x2] =	stream.indirect_vreg.gather [hbm4b:s6+s3], $0x80, v3, vm0, $0xb8;
	[tilespmem:$0x1A100] =	vst v63  }
0x65: {  	s30 =	simm.s32 $0xB900  }
0x66: {  	[tilespmem:s30], [sflag:$0x2] =	stream.indirect_vreg.gather [hbm4b:s7+s3], $0x80, v3, vm0, $0xb8;
	[tilespmem:$0x1A100] =	vst v63  }
0x67: {  	v3 =	vld [tilespmem:$0x30];
	_ =	sdelay $0x4  }
0x68: {  	v51 =	vshll.u32 v3, $0x3  }
0x69: {  	v3 =	vand.u32 $0x7, v3;
	v4 =	vand.u32 $0xFFFFFFC0, v51  }
0x6a: {  	v3 =	vor.u32 v3, v4  }
0x6b: {  	v4 =	vperm.xlane v3, v0;
	_ =	sdelay $0x1  }
0x6c: {  	v4 =	vadd.s32 v1, v4;
	_ =	sdelay $0x3  }
0x6d: {  	s25 =	simm.s32 $0xC100  }
0x6e: {  	[tilespmem:s25], [sflag:$0x2] =	stream.indirect_vreg.gather [hbm4b:s1+s3], $0x80, v4, vm0, $0xb8;
	[tilespmem:$0x1A100] =	vst v63  }
0x6f: {  	s28 =	simm.s32 $0xC900;
	v3 =	vperm.xlane v3, v2  }
0x70: {  	[tilespmem:s28], [sflag:$0x2] =	stream.indirect_vreg.gather [hbm4b:s5+s3], $0x80, v4, vm0, $0xb8;
	[tilespmem:$0x1A100] =	vst v63  }
0x71: {  	s29 =	simm.s32 $0xD100;
	v3 =	vadd.s32 v1, v3  }
0x72: {  	[tilespmem:s29], [sflag:$0x2] =	stream.indirect_vreg.gather [hbm4b:s6+s3], $0x80, v4, vm0, $0xb8;
	[tilespmem:$0x1A100] =	vst v63  }
0x73: {  	s30 =	simm.s32 $0xD900  }
0x74: {  	[tilespmem:s30], [sflag:$0x2] =	stream.indirect_vreg.gather [hbm4b:s7+s3], $0x80, v4, vm0, $0xb8;
	[tilespmem:$0x1A100] =	vst v63  }
0x75: {  	s25 =	simm.s32 $0xE100  }
0x76: {  	[tilespmem:s25], [sflag:$0x2] =	stream.indirect_vreg.gather [hbm4b:s1+s3], $0x80, v3, vm0, $0xb8;
	[tilespmem:$0x1A100] =	vst v63  }
0x77: {  	s28 =	simm.s32 $0xE900  }
0x78: {  	[tilespmem:s28], [sflag:$0x2] =	stream.indirect_vreg.gather [hbm4b:s5+s3], $0x80, v3, vm0, $0xb8;
	[tilespmem:$0x1A100] =	vst v63  }
0x79: {  	s29 =	simm.s32 $0xF100  }
0x7a: {  	[tilespmem:s29], [sflag:$0x2] =	stream.indirect_vreg.gather [hbm4b:s6+s3], $0x80, v3, vm0, $0xb8;
	[tilespmem:$0x1A100] =	vst v63  }
0x7b: {  	s30 =	simm.s32 $0xF900  }
0x7c: {  	[tilespmem:s30], [sflag:$0x2] =	stream.indirect_vreg.gather [hbm4b:s7+s3], $0x80, v3, vm0, $0xb8;
	[tilespmem:$0x1A100] =	vst v63  }
0x7d: {  	s25 =	rddreg [dreg:$0x6];
	s28 =	simm.s32 @!p0 $0x0;
	s29 =	simm.s32 @!p0 $0x18100  }
0x7e: {  	[tilespmem:s29], [sflag:$0x7] =	stream.linear.gather @!p0 [hbm4b:s25+s28], $0x2000, $0x38;
	[tilespmem:$0x1A100] =	vst v63  }
0x7f: {  	s25 =	simm.s32 @!p0 $0x7  }
0x80: {  	_ =	swait.ge @!p0 [sflag:s25], $0x2000  }
0x81: {  	[sflag:s25] =	ssyncset.done @!p0 $0x0  }
0x82: {  	s30 =	rddreg [dreg:$0x7];
	[sflag:s25] =	ssyncadd.s32 @!p0 $0xFFFFE000  }
0x83: {  	[hbm4b:s30+s28] =	stream.linear.scatter @!p0 [tilespmem:s29], [sflag:$0x7], $0x2000, $0x38;
	[tilespmem:$0x1A100] =	vst v63  }
0x84: {  	_ =	swait.ge @!p0 [sflag:s25], $0x2000  }
0x85: {  	[sflag:s25] =	ssyncset.done @!p0 $0x0  }
0x86: {  	[sflag:s25] =	ssyncadd.s32 @!p0 $0xFFFFE000  }
0x87: {  	v3 =	vld [tilespmem:$0x40];
	_ =	sdelay $0x4  }
0x88: {  	v52 =	vshll.u32 v3, $0x3  }
0x89: {  	v3 =	vand.u32 $0x7, v3;
	v4 =	vand.u32 $0xFFFFFFC0, v52  }
0x8a: {  	v3 =	vor.u32 v3, v4  }
0x8b: {  	v4 =	vperm.xlane v3, v0;
	_ =	sdelay $0x1  }
0x8c: {  	v4 =	vadd.s32 v1, v4;
	_ =	sdelay $0x3  }
0x8d: {  	s28 =	simm.s32 $0x10100  }
0x8e: {  	[tilespmem:s28], [sflag:$0x3] =	stream.indirect_vreg.gather [hbm4b:s1+s3], $0x80, v4, vm0, $0xb8;
	[tilespmem:$0x1A100] =	vst v63  }
0x8f: {  	s29 =	simm.s32 $0x10900;
	v3 =	vperm.xlane v3, v2  }
0x90: {  	[tilespmem:s29], [sflag:$0x3] =	stream.indirect_vreg.gather [hbm4b:s5+s3], $0x80, v4, vm0, $0xb8;
	[tilespmem:$0x1A100] =	vst v63  }
0x91: {  	s30 =	simm.s32 $0x11100;
	v3 =	vadd.s32 v1, v3  }
0x92: {  	[tilespmem:s30], [sflag:$0x3] =	stream.indirect_vreg.gather [hbm4b:s6+s3], $0x80, v4, vm0, $0xb8;
	[tilespmem:$0x1A100] =	vst v63  }
0x93: {  	s2 =	simm.s32 $0x11900  }
0x94: {  	[tilespmem:s2], [sflag:$0x3] =	stream.indirect_vreg.gather [hbm4b:s7+s3], $0x80, v4, vm0, $0xb8;
	[tilespmem:$0x1A100] =	vst v63  }
0x95: {  	_ = 	snop  }
0x96: {  	[tilespmem:s4], [sflag:$0x3] =	stream.indirect_vreg.gather [hbm4b:s1+s3], $0x80, v3, vm0, $0xb8;
	[tilespmem:$0x1A100] =	vst v63  }
0x97: {  	_ = 	snop  }
0x98: {  	[tilespmem:s9], [sflag:$0x3] =	stream.indirect_vreg.gather [hbm4b:s5+s3], $0x80, v3, vm0, $0xb8;
	[tilespmem:$0x1A100] =	vst v63  }
0x99: {  	_ = 	snop  }
0x9a: {  	[tilespmem:s10], [sflag:$0x3] =	stream.indirect_vreg.gather [hbm4b:s6+s3], $0x80, v3, vm0, $0xb8;
	[tilespmem:$0x1A100] =	vst v63  }
0x9b: {  	_ = 	snop  }
0x9c: {  	[tilespmem:s11], [sflag:$0x3] =	stream.indirect_vreg.gather [hbm4b:s7+s3], $0x80, v3, vm0, $0xb8;
	[tilespmem:$0x1A100] =	vst v63  }
0x9d: {  	v3 =	vld [tilespmem:$0x50];
	_ =	sdelay $0x4  }
0x9e: {  	v53 =	vshll.u32 v3, $0x3  }
0x9f: {  	v3 =	vand.u32 $0x7, v3;
	v4 =	vand.u32 $0xFFFFFFC0, v53  }
0xa0: {  	v3 =	vor.u32 v3, v4  }
0xa1: {  	v4 =	vperm.xlane v3, v0;
	_ =	sdelay $0x1  }
0xa2: {  	v4 =	vadd.s32 v1, v4;
	_ =	sdelay $0x4  }
0xa3: {  	[tilespmem:s12], [sflag:$0x3] =	stream.indirect_vreg.gather [hbm4b:s1+s3], $0x80, v4, vm0, $0xb8;
	[tilespmem:$0x1A100] =	vst v63  }
0xa4: {  	v3 =	vperm.xlane v3, v2  }
0xa5: {  	[tilespmem:s13], [sflag:$0x3] =	stream.indirect_vreg.gather [hbm4b:s5+s3], $0x80, v4, vm0, $0xb8;
	[tilespmem:$0x1A100] =	vst v63  }
0xa6: {  	v3 =	vadd.s32 v1, v3  }
0xa7: {  	[tilespmem:s14], [sflag:$0x3] =	stream.indirect_vreg.gather [hbm4b:s6+s3], $0x80, v4, vm0, $0xb8;
	[tilespmem:$0x1A100] =	vst v63  }
0xa8: {  	_ = 	snop  }
0xa9: {  	[tilespmem:s15], [sflag:$0x3] =	stream.indirect_vreg.gather [hbm4b:s7+s3], $0x80, v4, vm0, $0xb8;
	[tilespmem:$0x1A100] =	vst v63  }
0xaa: {  	_ = 	snop  }
0xab: {  	[tilespmem:s16], [sflag:$0x3] =	stream.indirect_vreg.gather [hbm4b:s1+s3], $0x80, v3, vm0, $0xb8;
	[tilespmem:$0x1A100] =	vst v63  }
0xac: {  	_ = 	snop  }
0xad: {  	[tilespmem:s17], [sflag:$0x3] =	stream.indirect_vreg.gather [hbm4b:s5+s3], $0x80, v3, vm0, $0xb8;
	[tilespmem:$0x1A100] =	vst v63  }
0xae: {  	_ = 	snop  }
0xaf: {  	[tilespmem:s18], [sflag:$0x3] =	stream.indirect_vreg.gather [hbm4b:s6+s3], $0x80, v3, vm0, $0xb8;
	[tilespmem:$0x1A100] =	vst v63  }
0xb0: {  	_ = 	snop  }
0xb1: {  	[tilespmem:s23], [sflag:$0x3] =	stream.indirect_vreg.gather [hbm4b:s7+s3], $0x80, v3, vm0, $0xb8;
	[tilespmem:$0x1A100] =	vst v63  }
0xb2: {  	_ =	swait.ge [sflag:s19], $0x8000  }
0xb3: {  	[sflag:s19] =	ssyncset.done $0x0  }
0xb4: {  	s25 =	rddreg [dreg:$0x11];
	[sflag:s19] =	ssyncadd.s32 $0xFFFF8000  }
0xb5: {  	[hbm4b:s25+s3] =	stream.linear.scatter [tilespmem:s26], [sflag:$0x4], $0x8000, $0x38;
	[tilespmem:$0x1A100] =	vst v63  }
0xb6: {  	_ =	swait.ge [sflag:s20], $0x8000  }
0xb7: {  	[sflag:s20] =	ssyncset.done $0x0  }
0xb8: {  	[sflag:s20] =	ssyncadd.s32 $0xFFFF8000  }
0xb9: {  	v3 =	vld [tilespmem:$0x60];
	_ =	sdelay $0x4  }
0xba: {  	v54 =	vshll.u32 v3, $0x3  }
0xbb: {  	v3 =	vand.u32 $0x7, v3;
	v4 =	vand.u32 $0xFFFFFFC0, v54  }
0xbc: {  	v3 =	vor.u32 v3, v4  }
0xbd: {  	v4 =	vperm.xlane v3, v0;
	_ =	sdelay $0x1  }
0xbe: {  	v4 =	vadd.s32 v1, v4;
	_ =	sdelay $0x4  }
0xbf: {  	[tilespmem:s26], [sflag:$0x1] =	stream.indirect_vreg.gather [hbm4b:s1+s3], $0x80, v4, vm0, $0xb8;
	[tilespmem:$0x1A100] =	vst v63  }
0xc0: {  	s25 =	simm.s32 $0x900;
	v3 =	vperm.xlane v3, v2  }
0xc1: {  	[tilespmem:s25], [sflag:$0x1] =	stream.indirect_vreg.gather [hbm4b:s5+s3], $0x80, v4, vm0, $0xb8;
	[tilespmem:$0x1A100] =	vst v63  }
0xc2: {  	v3 =	vadd.s32 v1, v3;
	s25 =	simm.s32 $0x1100  }
0xc3: {  	[tilespmem:s25], [sflag:$0x1] =	stream.indirect_vreg.gather [hbm4b:s6+s3], $0x80, v4, vm0, $0xb8;
	[tilespmem:$0x1A100] =	vst v63  }
0xc4: {  	s25 =	simm.s32 $0x1900  }
0xc5: {  	[tilespmem:s25], [sflag:$0x1] =	stream.indirect_vreg.gather [hbm4b:s7+s3], $0x80, v4, vm0, $0xb8;
	[tilespmem:$0x1A100] =	vst v63  }
0xc6: {  	s25 =	simm.s32 $0x2100  }
0xc7: {  	[tilespmem:s25], [sflag:$0x1] =	stream.indirect_vreg.gather [hbm4b:s1+s3], $0x80, v3, vm0, $0xb8;
	[tilespmem:$0x1A100] =	vst v63  }
0xc8: {  	s25 =	simm.s32 $0x2900  }
0xc9: {  	[tilespmem:s25], [sflag:$0x1] =	stream.indirect_vreg.gather [hbm4b:s5+s3], $0x80, v3, vm0, $0xb8;
	[tilespmem:$0x1A100] =	vst v63  }
0xca: {  	s25 =	simm.s32 $0x3100  }
0xcb: {  	[tilespmem:s25], [sflag:$0x1] =	stream.indirect_vreg.gather [hbm4b:s6+s3], $0x80, v3, vm0, $0xb8;
	[tilespmem:$0x1A100] =	vst v63  }
0xcc: {  	s25 =	simm.s32 $0x3900  }
0xcd: {  	[tilespmem:s25], [sflag:$0x1] =	stream.indirect_vreg.gather [hbm4b:s7+s3], $0x80, v3, vm0, $0xb8;
	[tilespmem:$0x1A100] =	vst v63  }
0xce: {  	v3 =	vld [tilespmem:$0x70];
	_ =	sdelay $0x4  }
0xcf: {  	v55 =	vshll.u32 v3, $0x3  }
0xd0: {  	v3 =	vand.u32 $0x7, v3;
	v4 =	vand.u32 $0xFFFFFFC0, v55  }
0xd1: {  	v3 =	vor.u32 v3, v4  }
0xd2: {  	v4 =	vperm.xlane v3, v0;
	_ =	sdelay $0x1  }
0xd3: {  	v4 =	vadd.s32 v1, v4;
	_ =	sdelay $0x3  }
0xd4: {  	s25 =	simm.s32 $0x4100  }
0xd5: {  	[tilespmem:s25], [sflag:$0x1] =	stream.indirect_vreg.gather [hbm4b:s1+s3], $0x80, v4, vm0, $0xb8;
	[tilespmem:$0x1A100] =	vst v63  }
0xd6: {  	v3 =	vperm.xlane v3, v2;
	s25 =	simm.s32 $0x4900  }
0xd7: {  	[tilespmem:s25], [sflag:$0x1] =	stream.indirect_vreg.gather [hbm4b:s5+s3], $0x80, v4, vm0, $0xb8;
	[tilespmem:$0x1A100] =	vst v63  }
0xd8: {  	v3 =	vadd.s32 v1, v3;
	s25 =	simm.s32 $0x5100  }
0xd9: {  	[tilespmem:s25], [sflag:$0x1] =	stream.indirect_vreg.gather [hbm4b:s6+s3], $0x80, v4, vm0, $0xb8;
	[tilespmem:$0x1A100] =	vst v63  }
0xda: {  	s25 =	simm.s32 $0x5900  }
0xdb: {  	[tilespmem:s25], [sflag:$0x1] =	stream.indirect_vreg.gather [hbm4b:s7+s3], $0x80, v4, vm0, $0xb8;
	[tilespmem:$0x1A100] =	vst v63  }
0xdc: {  	s25 =	simm.s32 $0x6100  }
0xdd: {  	[tilespmem:s25], [sflag:$0x1] =	stream.indirect_vreg.gather [hbm4b:s1+s3], $0x80, v3, vm0, $0xb8;
	[tilespmem:$0x1A100] =	vst v63  }
0xde: {  	s25 =	simm.s32 $0x6900  }
0xdf: {  	[tilespmem:s25], [sflag:$0x1] =	stream.indirect_vreg.gather [hbm4b:s5+s3], $0x80, v3, vm0, $0xb8;
	[tilespmem:$0x1A100] =	vst v63  }
0xe0: {  	s25 =	simm.s32 $0x7100  }
0xe1: {  	[tilespmem:s25], [sflag:$0x1] =	stream.indirect_vreg.gather [hbm4b:s6+s3], $0x80, v3, vm0, $0xb8;
	[tilespmem:$0x1A100] =	vst v63  }
0xe2: {  	s25 =	simm.s32 $0x7900  }
0xe3: {  	[tilespmem:s25], [sflag:$0x1] =	stream.indirect_vreg.gather [hbm4b:s7+s3], $0x80, v3, vm0, $0xb8;
	[tilespmem:$0x1A100] =	vst v63  }
0xe4: {  	_ =	swait.ge [sflag:s21], $0x8000  }
0xe5: {  	[sflag:s21] =	ssyncset.done $0x0  }
0xe6: {  	s25 =	rddreg [dreg:$0x8];
	[sflag:s21] =	ssyncadd.s32 $0xFFFF8000  }
0xe7: {  	[hbm4b:s25+s3] =	stream.linear.scatter [tilespmem:s0], [sflag:$0x5], $0x8000, $0x38;
	[tilespmem:$0x1A100] =	vst v63  }
0xe8: {  	_ =	swait.ge [sflag:s22], $0x8000  }
0xe9: {  	[sflag:s22] =	ssyncset.done $0x0  }
0xea: {  	[sflag:s22] =	ssyncadd.s32 $0xFFFF8000  }
0xeb: {  	v3 =	vld [tilespmem:$0x80];
	_ =	sdelay $0x4  }
0xec: {  	v56 =	vshll.u32 v3, $0x3  }
0xed: {  	v3 =	vand.u32 $0x7, v3;
	v4 =	vand.u32 $0xFFFFFFC0, v56  }
0xee: {  	v3 =	vor.u32 v3, v4  }
0xef: {  	v4 =	vperm.xlane v3, v0;
	_ =	sdelay $0x1  }
0xf0: {  	v4 =	vadd.s32 v1, v4;
	_ =	sdelay $0x4  }
0xf1: {  	[tilespmem:s0], [sflag:$0x2] =	stream.indirect_vreg.gather [hbm4b:s1+s3], $0x80, v4, vm0, $0xb8;
	[tilespmem:$0x1A100] =	vst v63  }
0xf2: {  	s25 =	simm.s32 $0x8900;
	v3 =	vperm.xlane v3, v2  }
0xf3: {  	[tilespmem:s25], [sflag:$0x2] =	stream.indirect_vreg.gather [hbm4b:s5+s3], $0x80, v4, vm0, $0xb8;
	[tilespmem:$0x1A100] =	vst v63  }
0xf4: {  	v3 =	vadd.s32 v1, v3;
	s25 =	simm.s32 $0x9100  }
0xf5: {  	[tilespmem:s25], [sflag:$0x2] =	stream.indirect_vreg.gather [hbm4b:s6+s3], $0x80, v4, vm0, $0xb8;
	[tilespmem:$0x1A100] =	vst v63  }
0xf6: {  	s25 =	simm.s32 $0x9900  }
0xf7: {  	[tilespmem:s25], [sflag:$0x2] =	stream.indirect_vreg.gather [hbm4b:s7+s3], $0x80, v4, vm0, $0xb8;
	[tilespmem:$0x1A100] =	vst v63  }
0xf8: {  	s25 =	simm.s32 $0xA100  }
0xf9: {  	[tilespmem:s25], [sflag:$0x2] =	stream.indirect_vreg.gather [hbm4b:s1+s3], $0x80, v3, vm0, $0xb8;
	[tilespmem:$0x1A100] =	vst v63  }
0xfa: {  	s25 =	simm.s32 $0xA900  }
0xfb: {  	[tilespmem:s25], [sflag:$0x2] =	stream.indirect_vreg.gather [hbm4b:s5+s3], $0x80, v3, vm0, $0xb8;
	[tilespmem:$0x1A100] =	vst v63  }
0xfc: {  	s25 =	simm.s32 $0xB100  }
0xfd: {  	[tilespmem:s25], [sflag:$0x2] =	stream.indirect_vreg.gather [hbm4b:s6+s3], $0x80, v3, vm0, $0xb8;
	[tilespmem:$0x1A100] =	vst v63  }
0xfe: {  	s25 =	simm.s32 $0xB900  }
0xff: {  	[tilespmem:s25], [sflag:$0x2] =	stream.indirect_vreg.gather [hbm4b:s7+s3], $0x80, v3, vm0, $0xb8;
	[tilespmem:$0x1A100] =	vst v63  }
0x100: {  	v3 =	vld [tilespmem:$0x90];
	_ =	sdelay $0x4  }
0x101: {  	v57 =	vshll.u32 v3, $0x3  }
0x102: {  	v3 =	vand.u32 $0x7, v3;
	v4 =	vand.u32 $0xFFFFFFC0, v57  }
0x103: {  	v3 =	vor.u32 v3, v4  }
0x104: {  	v4 =	vperm.xlane v3, v0;
	_ =	sdelay $0x1  }
0x105: {  	v4 =	vadd.s32 v1, v4;
	_ =	sdelay $0x3  }
0x106: {  	s25 =	simm.s32 $0xC100  }
0x107: {  	[tilespmem:s25], [sflag:$0x2] =	stream.indirect_vreg.gather [hbm4b:s1+s3], $0x80, v4, vm0, $0xb8;
	[tilespmem:$0x1A100] =	vst v63  }
0x108: {  	v3 =	vperm.xlane v3, v2;
	s25 =	simm.s32 $0xC900  }
0x109: {  	[tilespmem:s25], [sflag:$0x2] =	stream.indirect_vreg.gather [hbm4b:s5+s3], $0x80, v4, vm0, $0xb8;
	[tilespmem:$0x1A100] =	vst v63  }
0x10a: {  	v3 =	vadd.s32 v1, v3;
	s25 =	simm.s32 $0xD100  }
0x10b: {  	[tilespmem:s25], [sflag:$0x2] =	stream.indirect_vreg.gather [hbm4b:s6+s3], $0x80, v4, vm0, $0xb8;
	[tilespmem:$0x1A100] =	vst v63  }
0x10c: {  	s25 =	simm.s32 $0xD900  }
0x10d: {  	[tilespmem:s25], [sflag:$0x2] =	stream.indirect_vreg.gather [hbm4b:s7+s3], $0x80, v4, vm0, $0xb8;
	[tilespmem:$0x1A100] =	vst v63  }
0x10e: {  	s25 =	simm.s32 $0xE100  }
0x10f: {  	[tilespmem:s25], [sflag:$0x2] =	stream.indirect_vreg.gather [hbm4b:s1+s3], $0x80, v3, vm0, $0xb8;
	[tilespmem:$0x1A100] =	vst v63  }
0x110: {  	s25 =	simm.s32 $0xE900  }
0x111: {  	[tilespmem:s25], [sflag:$0x2] =	stream.indirect_vreg.gather [hbm4b:s5+s3], $0x80, v3, vm0, $0xb8;
	[tilespmem:$0x1A100] =	vst v63  }
0x112: {  	s25 =	simm.s32 $0xF100  }
0x113: {  	[tilespmem:s25], [sflag:$0x2] =	stream.indirect_vreg.gather [hbm4b:s6+s3], $0x80, v3, vm0, $0xb8;
	[tilespmem:$0x1A100] =	vst v63  }
0x114: {  	s25 =	simm.s32 $0xF900  }
0x115: {  	[tilespmem:s25], [sflag:$0x2] =	stream.indirect_vreg.gather [hbm4b:s7+s3], $0x80, v3, vm0, $0xb8;
	[tilespmem:$0x1A100] =	vst v63  }
0x116: {  	_ =	swait.ge [sflag:s31], $0x8000  }
0x117: {  	[sflag:s31] =	ssyncset.done $0x0  }
0x118: {  	s25 =	rddreg [dreg:$0x9];
	[sflag:s31] =	ssyncadd.s32 $0xFFFF8000  }
0x119: {  	[hbm4b:s25+s3] =	stream.linear.scatter [tilespmem:s28], [sflag:$0x6], $0x8000, $0x38;
	[tilespmem:$0x1A100] =	vst v63  }
0x11a: {  	_ =	swait.ge [sflag:s24], $0x8000  }
0x11b: {  	[sflag:s24] =	ssyncset.done $0x0  }
0x11c: {  	[sflag:s24] =	ssyncadd.s32 $0xFFFF8000  }
0x11d: {  	v3 =	vld [tilespmem:$0xA0];
	_ =	sdelay $0x4  }
0x11e: {  	v58 =	vshll.u32 v3, $0x3  }
0x11f: {  	v3 =	vand.u32 $0x7, v3;
	v4 =	vand.u32 $0xFFFFFFC0, v58  }
0x120: {  	v3 =	vor.u32 v3, v4  }
0x121: {  	v4 =	vperm.xlane v3, v0;
	_ =	sdelay $0x1  }
0x122: {  	v4 =	vadd.s32 v1, v4;
	_ =	sdelay $0x4  }
0x123: {  	[tilespmem:s28], [sflag:$0x3] =	stream.indirect_vreg.gather [hbm4b:s1+s3], $0x80, v4, vm0, $0xb8;
	[tilespmem:$0x1A100] =	vst v63  }
0x124: {  	v3 =	vperm.xlane v3, v2  }
0x125: {  	[tilespmem:s29], [sflag:$0x3] =	stream.indirect_vreg.gather [hbm4b:s5+s3], $0x80, v4, vm0, $0xb8;
	[tilespmem:$0x1A100] =	vst v63  }
0x126: {  	v3 =	vadd.s32 v1, v3  }
0x127: {  	[tilespmem:s30], [sflag:$0x3] =	stream.indirect_vreg.gather [hbm4b:s6+s3], $0x80, v4, vm0, $0xb8;
	[tilespmem:$0x1A100] =	vst v63  }
0x128: {  	_ = 	snop  }
0x129: {  	[tilespmem:s2], [sflag:$0x3] =	stream.indirect_vreg.gather [hbm4b:s7+s3], $0x80, v4, vm0, $0xb8;
	[tilespmem:$0x1A100] =	vst v63  }
0x12a: {  	_ = 	snop  }
0x12b: {  	[tilespmem:s4], [sflag:$0x3] =	stream.indirect_vreg.gather [hbm4b:s1+s3], $0x80, v3, vm0, $0xb8;
	[tilespmem:$0x1A100] =	vst v63  }
0x12c: {  	_ = 	snop  }
0x12d: {  	[tilespmem:s9], [sflag:$0x3] =	stream.indirect_vreg.gather [hbm4b:s5+s3], $0x80, v3, vm0, $0xb8;
	[tilespmem:$0x1A100] =	vst v63  }
0x12e: {  	_ = 	snop  }
0x12f: {  	[tilespmem:s10], [sflag:$0x3] =	stream.indirect_vreg.gather [hbm4b:s6+s3], $0x80, v3, vm0, $0xb8;
	[tilespmem:$0x1A100] =	vst v63  }
0x130: {  	_ = 	snop  }
0x131: {  	[tilespmem:s11], [sflag:$0x3] =	stream.indirect_vreg.gather [hbm4b:s7+s3], $0x80, v3, vm0, $0xb8;
	[tilespmem:$0x1A100] =	vst v63  }
0x132: {  	v3 =	vld [tilespmem:$0xB0];
	_ =	sdelay $0x4  }
0x133: {  	v59 =	vshll.u32 v3, $0x3  }
0x134: {  	v3 =	vand.u32 $0x7, v3;
	v4 =	vand.u32 $0xFFFFFFC0, v59  }
0x135: {  	v3 =	vor.u32 v3, v4  }
0x136: {  	v4 =	vperm.xlane v3, v0;
	_ =	sdelay $0x1  }
0x137: {  	v4 =	vadd.s32 v1, v4;
	_ =	sdelay $0x4  }
0x138: {  	[tilespmem:s12], [sflag:$0x3] =	stream.indirect_vreg.gather [hbm4b:s1+s3], $0x80, v4, vm0, $0xb8;
	[tilespmem:$0x1A100] =	vst v63  }
0x139: {  	v3 =	vperm.xlane v3, v2  }
0x13a: {  	[tilespmem:s13], [sflag:$0x3] =	stream.indirect_vreg.gather [hbm4b:s5+s3], $0x80, v4, vm0, $0xb8;
	[tilespmem:$0x1A100] =	vst v63  }
0x13b: {  	v3 =	vadd.s32 v1, v3  }
0x13c: {  	[tilespmem:s14], [sflag:$0x3] =	stream.indirect_vreg.gather [hbm4b:s6+s3], $0x80, v4, vm0, $0xb8;
	[tilespmem:$0x1A100] =	vst v63  }
0x13d: {  	_ = 	snop  }
0x13e: {  	[tilespmem:s15], [sflag:$0x3] =	stream.indirect_vreg.gather [hbm4b:s7+s3], $0x80, v4, vm0, $0xb8;
	[tilespmem:$0x1A100] =	vst v63  }
0x13f: {  	_ = 	snop  }
0x140: {  	[tilespmem:s16], [sflag:$0x3] =	stream.indirect_vreg.gather [hbm4b:s1+s3], $0x80, v3, vm0, $0xb8;
	[tilespmem:$0x1A100] =	vst v63  }
0x141: {  	_ = 	snop  }
0x142: {  	[tilespmem:s17], [sflag:$0x3] =	stream.indirect_vreg.gather [hbm4b:s5+s3], $0x80, v3, vm0, $0xb8;
	[tilespmem:$0x1A100] =	vst v63  }
0x143: {  	_ = 	snop  }
0x144: {  	[tilespmem:s18], [sflag:$0x3] =	stream.indirect_vreg.gather [hbm4b:s6+s3], $0x80, v3, vm0, $0xb8;
	[tilespmem:$0x1A100] =	vst v63  }
0x145: {  	_ = 	snop  }
0x146: {  	[tilespmem:s23], [sflag:$0x3] =	stream.indirect_vreg.gather [hbm4b:s7+s3], $0x80, v3, vm0, $0xb8;
	[tilespmem:$0x1A100] =	vst v63  }
0x147: {  	_ =	swait.ge [sflag:s19], $0x8000  }
0x148: {  	[sflag:s19] =	ssyncset.done $0x0  }
0x149: {  	s2 =	rddreg [dreg:$0xa];
	[sflag:s19] =	ssyncadd.s32 $0xFFFF8000  }
0x14a: {  	[hbm4b:s2+s3] =	stream.linear.scatter [tilespmem:s26], [sflag:$0x4], $0x8000, $0x38;
	[tilespmem:$0x1A100] =	vst v63  }
0x14b: {  	_ =	swait.ge [sflag:s20], $0x8000  }
0x14c: {  	[sflag:s20] =	ssyncset.done $0x0  }
0x14d: {  	[sflag:s20] =	ssyncadd.s32 $0xFFFF8000  }
0x14e: {  	v3 =	vld [tilespmem:$0xC0];
	_ =	sdelay $0x4  }
0x14f: {  	v60 =	vshll.u32 v3, $0x3  }
0x150: {  	v3 =	vand.u32 $0x7, v3;
	v4 =	vand.u32 $0xFFFFFFC0, v60  }
0x151: {  	v3 =	vor.u32 v3, v4  }
0x152: {  	v4 =	vperm.xlane v3, v0;
	_ =	sdelay $0x1  }
0x153: {  	v4 =	vadd.s32 v1, v4;
	_ =	sdelay $0x4  }
0x154: {  	[tilespmem:s26], [sflag:$0x1] =	stream.indirect_vreg.gather [hbm4b:s1+s3], $0x80, v4, vm0, $0xb8;
	[tilespmem:$0x1A100] =	vst v63  }
0x155: {  	s25 =	simm.s32 $0x900;
	v3 =	vperm.xlane v3, v2  }
0x156: {  	[tilespmem:s25], [sflag:$0x1] =	stream.indirect_vreg.gather [hbm4b:s5+s3], $0x80, v4, vm0, $0xb8;
	[tilespmem:$0x1A100] =	vst v63  }
0x157: {  	s29 =	simm.s32 $0x1100;
	v3 =	vadd.s32 v1, v3  }
0x158: {  	[tilespmem:s29], [sflag:$0x1] =	stream.indirect_vreg.gather [hbm4b:s6+s3], $0x80, v4, vm0, $0xb8;
	[tilespmem:$0x1A100] =	vst v63  }
0x159: {  	s30 =	simm.s32 $0x1900  }
0x15a: {  	[tilespmem:s30], [sflag:$0x1] =	stream.indirect_vreg.gather [hbm4b:s7+s3], $0x80, v4, vm0, $0xb8;
	[tilespmem:$0x1A100] =	vst v63  }
0x15b: {  	s25 =	simm.s32 $0x2100  }
0x15c: {  	[tilespmem:s25], [sflag:$0x1] =	stream.indirect_vreg.gather [hbm4b:s1+s3], $0x80, v3, vm0, $0xb8;
	[tilespmem:$0x1A100] =	vst v63  }
0x15d: {  	s29 =	simm.s32 $0x2900  }
0x15e: {  	[tilespmem:s29], [sflag:$0x1] =	stream.indirect_vreg.gather [hbm4b:s5+s3], $0x80, v3, vm0, $0xb8;
	[tilespmem:$0x1A100] =	vst v63  }
0x15f: {  	s30 =	simm.s32 $0x3100  }
0x160: {  	[tilespmem:s30], [sflag:$0x1] =	stream.indirect_vreg.gather [hbm4b:s6+s3], $0x80, v3, vm0, $0xb8;
	[tilespmem:$0x1A100] =	vst v63  }
0x161: {  	s25 =	simm.s32 $0x3900  }
0x162: {  	[tilespmem:s25], [sflag:$0x1] =	stream.indirect_vreg.gather [hbm4b:s7+s3], $0x80, v3, vm0, $0xb8;
	[tilespmem:$0x1A100] =	vst v63  }
0x163: {  	v3 =	vld [tilespmem:$0xD0];
	_ =	sdelay $0x4  }
0x164: {  	v61 =	vshll.u32 v3, $0x3  }
0x165: {  	v3 =	vand.u32 $0x7, v3;
	v4 =	vand.u32 $0xFFFFFFC0, v61  }
0x166: {  	v3 =	vor.u32 v3, v4  }
0x167: {  	v4 =	vperm.xlane v3, v0;
	_ =	sdelay $0x1  }
0x168: {  	v4 =	vadd.s32 v1, v4;
	_ =	sdelay $0x3  }
0x169: {  	s29 =	simm.s32 $0x4100  }
0x16a: {  	[tilespmem:s29], [sflag:$0x1] =	stream.indirect_vreg.gather [hbm4b:s1+s3], $0x80, v4, vm0, $0xb8;
	[tilespmem:$0x1A100] =	vst v63  }
0x16b: {  	s30 =	simm.s32 $0x4900;
	v3 =	vperm.xlane v3, v2  }
0x16c: {  	[tilespmem:s30], [sflag:$0x1] =	stream.indirect_vreg.gather [hbm4b:s5+s3], $0x80, v4, vm0, $0xb8;
	[tilespmem:$0x1A100] =	vst v63  }
0x16d: {  	s25 =	simm.s32 $0x5100;
	v3 =	vadd.s32 v1, v3  }
0x16e: {  	[tilespmem:s25], [sflag:$0x1] =	stream.indirect_vreg.gather [hbm4b:s6+s3], $0x80, v4, vm0, $0xb8;
	[tilespmem:$0x1A100] =	vst v63  }
0x16f: {  	s29 =	simm.s32 $0x5900  }
0x170: {  	[tilespmem:s29], [sflag:$0x1] =	stream.indirect_vreg.gather [hbm4b:s7+s3], $0x80, v4, vm0, $0xb8;
	[tilespmem:$0x1A100] =	vst v63  }
0x171: {  	s30 =	simm.s32 $0x6100  }
0x172: {  	[tilespmem:s30], [sflag:$0x1] =	stream.indirect_vreg.gather [hbm4b:s1+s3], $0x80, v3, vm0, $0xb8;
	[tilespmem:$0x1A100] =	vst v63  }
0x173: {  	s25 =	simm.s32 $0x6900  }
0x174: {  	[tilespmem:s25], [sflag:$0x1] =	stream.indirect_vreg.gather [hbm4b:s5+s3], $0x80, v3, vm0, $0xb8;
	[tilespmem:$0x1A100] =	vst v63  }
0x175: {  	s29 =	simm.s32 $0x7100  }
0x176: {  	[tilespmem:s29], [sflag:$0x1] =	stream.indirect_vreg.gather [hbm4b:s6+s3], $0x80, v3, vm0, $0xb8;
	[tilespmem:$0x1A100] =	vst v63  }
0x177: {  	s30 =	simm.s32 $0x7900  }
0x178: {  	[tilespmem:s30], [sflag:$0x1] =	stream.indirect_vreg.gather [hbm4b:s7+s3], $0x80, v3, vm0, $0xb8;
	[tilespmem:$0x1A100] =	vst v63  }
0x179: {  	_ =	swait.ge [sflag:s21], $0x8000  }
0x17a: {  	[sflag:s21] =	ssyncset.done $0x0  }
0x17b: {  	s2 =	rddreg [dreg:$0xb];
	[sflag:s21] =	ssyncadd.s32 $0xFFFF8000  }
0x17c: {  	[hbm4b:s2+s3] =	stream.linear.scatter [tilespmem:s0], [sflag:$0x5], $0x8000, $0x38;
	[tilespmem:$0x1A100] =	vst v63  }
0x17d: {  	_ =	swait.ge [sflag:s22], $0x8000  }
0x17e: {  	[sflag:s22] =	ssyncset.done $0x0  }
0x17f: {  	[sflag:s22] =	ssyncadd.s32 $0xFFFF8000  }
0x180: {  	v3 =	vld [tilespmem:$0xE0];
	_ =	sdelay $0x4  }
0x181: {  	v62 =	vshll.u32 v3, $0x3  }
0x182: {  	v3 =	vand.u32 $0x7, v3;
	v4 =	vand.u32 $0xFFFFFFC0, v62  }
0x183: {  	v3 =	vor.u32 v3, v4  }
0x184: {  	v4 =	vperm.xlane v3, v0;
	_ =	sdelay $0x1  }
0x185: {  	v4 =	vadd.s32 v1, v4;
	_ =	sdelay $0x4  }
0x186: {  	[tilespmem:s0], [sflag:$0x2] =	stream.indirect_vreg.gather [hbm4b:s1+s3], $0x80, v4, vm0, $0xb8;
	[tilespmem:$0x1A100] =	vst v63  }
0x187: {  	s25 =	simm.s32 $0x8900;
	v3 =	vperm.xlane v3, v2  }
0x188: {  	[tilespmem:s25], [sflag:$0x2] =	stream.indirect_vreg.gather [hbm4b:s5+s3], $0x80, v4, vm0, $0xb8;
	[tilespmem:$0x1A100] =	vst v63  }
0x189: {  	s29 =	simm.s32 $0x9100;
	v3 =	vadd.s32 v1, v3  }
0x18a: {  	[tilespmem:s29], [sflag:$0x2] =	stream.indirect_vreg.gather [hbm4b:s6+s3], $0x80, v4, vm0, $0xb8;
	[tilespmem:$0x1A100] =	vst v63  }
0x18b: {  	s30 =	simm.s32 $0x9900  }
0x18c: {  	[tilespmem:s30], [sflag:$0x2] =	stream.indirect_vreg.gather [hbm4b:s7+s3], $0x80, v4, vm0, $0xb8;
	[tilespmem:$0x1A100] =	vst v63  }
0x18d: {  	s25 =	simm.s32 $0xA100  }
0x18e: {  	[tilespmem:s25], [sflag:$0x2] =	stream.indirect_vreg.gather [hbm4b:s1+s3], $0x80, v3, vm0, $0xb8;
	[tilespmem:$0x1A100] =	vst v63  }
0x18f: {  	s29 =	simm.s32 $0xA900  }
0x190: {  	[tilespmem:s29], [sflag:$0x2] =	stream.indirect_vreg.gather [hbm4b:s5+s3], $0x80, v3, vm0, $0xb8;
	[tilespmem:$0x1A100] =	vst v63  }
0x191: {  	s30 =	simm.s32 $0xB100  }
0x192: {  	[tilespmem:s30], [sflag:$0x2] =	stream.indirect_vreg.gather [hbm4b:s6+s3], $0x80, v3, vm0, $0xb8;
	[tilespmem:$0x1A100] =	vst v63  }
0x193: {  	s25 =	simm.s32 $0xB900  }
0x194: {  	[tilespmem:s25], [sflag:$0x2] =	stream.indirect_vreg.gather [hbm4b:s7+s3], $0x80, v3, vm0, $0xb8;
	[tilespmem:$0x1A100] =	vst v63  }
0x195: {  	v3 =	vld [tilespmem:$0xF0];
	_ =	sdelay $0x4  }
0x196: {  	v63 =	vshll.u32 v3, $0x3  }
0x197: {  	v3 =	vand.u32 $0x7, v3;
	v4 =	vand.u32 $0xFFFFFFC0, v63  }
0x198: {  	v3 =	vor.u32 v3, v4  }
0x199: {  	v4 =	vperm.xlane v3, v0;
	_ =	sdelay $0x1  }
0x19a: {  	v4 =	vadd.s32 v1, v4;
	_ =	sdelay $0x3  }
0x19b: {  	s29 =	simm.s32 $0xC100  }
0x19c: {  	[tilespmem:s29], [sflag:$0x2] =	stream.indirect_vreg.gather [hbm4b:s1+s3], $0x80, v4, vm0, $0xb8;
	[tilespmem:$0x1A100] =	vst v63  }
0x19d: {  	s30 =	simm.s32 $0xC900;
	v3 =	vperm.xlane v3, v2  }
0x19e: {  	[tilespmem:s30], [sflag:$0x2] =	stream.indirect_vreg.gather [hbm4b:s5+s3], $0x80, v4, vm0, $0xb8;
	[tilespmem:$0x1A100] =	vst v63  }
0x19f: {  	s25 =	simm.s32 $0xD100;
	v3 =	vadd.s32 v1, v3  }
0x1a0: {  	[tilespmem:s25], [sflag:$0x2] =	stream.indirect_vreg.gather [hbm4b:s6+s3], $0x80, v4, vm0, $0xb8;
	[tilespmem:$0x1A100] =	vst v63  }
0x1a1: {  	s29 =	simm.s32 $0xD900  }
0x1a2: {  	[tilespmem:s29], [sflag:$0x2] =	stream.indirect_vreg.gather [hbm4b:s7+s3], $0x80, v4, vm0, $0xb8;
	[tilespmem:$0x1A100] =	vst v63  }
0x1a3: {  	s30 =	simm.s32 $0xE100  }
0x1a4: {  	[tilespmem:s30], [sflag:$0x2] =	stream.indirect_vreg.gather [hbm4b:s1+s3], $0x80, v3, vm0, $0xb8;
	[tilespmem:$0x1A100] =	vst v63  }
0x1a5: {  	s25 =	simm.s32 $0xE900  }
0x1a6: {  	[tilespmem:s25], [sflag:$0x2] =	stream.indirect_vreg.gather [hbm4b:s5+s3], $0x80, v3, vm0, $0xb8;
	[tilespmem:$0x1A100] =	vst v63  }
0x1a7: {  	s29 =	simm.s32 $0xF100  }
0x1a8: {  	[tilespmem:s29], [sflag:$0x2] =	stream.indirect_vreg.gather [hbm4b:s6+s3], $0x80, v3, vm0, $0xb8;
	[tilespmem:$0x1A100] =	vst v63  }
0x1a9: {  	s30 =	simm.s32 $0xF900  }
0x1aa: {  	[tilespmem:s30], [sflag:$0x2] =	stream.indirect_vreg.gather [hbm4b:s7+s3], $0x80, v3, vm0, $0xb8;
	[tilespmem:$0x1A100] =	vst v63  }
0x1ab: {  	_ =	swait.ge [sflag:s31], $0x8000  }
0x1ac: {  	[sflag:s31] =	ssyncset.done $0x0  }
0x1ad: {  	s2 =	rddreg [dreg:$0xc];
	[sflag:s31] =	ssyncadd.s32 $0xFFFF8000  }
0x1ae: {  	[hbm4b:s2+s3] =	stream.linear.scatter [tilespmem:s28], [sflag:$0x6], $0x8000, $0x38;
	[tilespmem:$0x1A100] =	vst v63  }
0x1af: {  	_ =	swait.ge [sflag:s19], $0x8000  }
0x1b0: {  	[sflag:s19] =	ssyncset.done $0x0  }
0x1b1: {  	s29 =	rddreg [dreg:$0xd];
	[sflag:s19] =	ssyncadd.s32 $0xFFFF8000  }
0x1b2: {  	[hbm4b:s29+s3] =	stream.linear.scatter [tilespmem:s26], [sflag:$0x4], $0x8000, $0x38;
	[tilespmem:$0x1A100] =	vst v63  }
0x1b3: {  	_ =	swait.ge [sflag:s21], $0x8000  }
0x1b4: {  	[sflag:s21] =	ssyncset.done $0x0  }
0x1b5: {  	s30 =	rddreg [dreg:$0xe];
	[sflag:s21] =	ssyncadd.s32 $0xFFFF8000  }
0x1b6: {  	[hbm4b:s30+s3] =	stream.linear.scatter [tilespmem:s0], [sflag:$0x5], $0x8000, $0x38;
	[tilespmem:$0x1A100] =	vst v63  }
0x1b7: {  	_ =	swait.ge [sflag:s24], $0x8000  }
0x1b8: {  	[sflag:s24] =	ssyncset.done $0x0  }
0x1b9: {  	s8 =	sadd.s32 $0xFFFFFFFF, s8;
	[sflag:s24] =	ssyncadd.s32 $0xFFFF8000  }
0x1ba: {  	p1 =	sne.s32 s8, $0x0;
	_ =	swait.ge [sflag:s20], $0x8000  }
.Ltmp0:
0x1bb: {  	[sflag:s20] =	ssyncset.done $0x0;
	(pc) =	sbr.rel @p1 .LBB2_1-.Ltmp0, $4  }
0x1bc: {  	[sflag:s20] =	ssyncadd.s32 $0xFFFF8000  }
0x1bd: {  	_ =	swait.ge [sflag:s22], $0x8000  }
0x1be: {  	[sflag:s22] =	ssyncset.done $0x0  }
0x1bf: {  	[sflag:s22] =	ssyncadd.s32 $0xFFFF8000  }
0x1c0: {  	_ =	sfence.sel $0x180000  }
0x1c1: {  	[bflag:$0x0] =	sbarrier.arrive $0xFFFF  }
0x1c2: {  	_ =	strace $0x90000047  }
0x1c3: {  	s0 =	stileid.u32;
	[bflag:$0x2] =	sbarrier.arrive $0xFFFF  }
0x1c4: {  	p0 =	sne.s32 s0, $0x0;
	s0 =	rddreg [dreg:$0x4]  }
0x1c5: {  	s0 =	sadd.s32 @!p0 $0x100000, s0  }
0x1c6: {  	[sflag:s0] =	ssyncadd.tile.s32 @!p0 $0x1;
	_ =	shalt  }
.Lfunc_end2:
_tile_overlayer_lowered:
.L_overlay_start_2:
0x1c7: {  	(tag) =	ssettag $0x2  }
0x1c8: {  	s0 =	rddreg [dreg:$0x0];
	s2 =	stileid.u32  }
0x1c9: {  	s1 =	rddreg [dreg:$0x1];
	p0 =	sne.s32 s2, $0x0  }
0x1ca: {  	s3 =	rddreg [dreg:$0x2];
	[bflag:$0x3] =	sbarrier.arrive $0xFFFF;
	s2 =	simm.s32 @!p0 $0x1C08  }
0x1cb: {  	[timem:s3], [sflag:s2] =	dma.local @!p0 [hbm:s0], s1  }
0x1cc: {  	s0 =	simm.s32 @!p0 $0x8  }
0x1cd: {  	_ =	swait.ge @!p0 [sflag:s0], s1  }
0x1ce: {  	s1 =	ssub.s32 @!p0 $0x0, s1;
	[sflag:s0] =	ssyncset.done @!p0 $0x0  }
0x1cf: {  	[sflag:s0] =	ssyncadd.s32 @!p0 s1  }
0x1d0: {  	[bflag:$0x3] =	sbarrier.arrive $0xFFFF  }
0x1d1: {  	_ =	shalt  }

</sc_bundles>
